<compile_context>
chip_gen: v7x
topology: tpu7x:2x2x1
jax: 0.10.2.dev20260603
libtpu: 0.0.44.dev20260713+nightly
codegen_flags: <defaults>
</compile_context>

<pallas_src>
import jax
import jax.numpy as jnp
from jax import lax
from jax.experimental import pallas as pl
from jax.experimental.pallas import tpu as pltpu
from jax.experimental.pallas import tpu_sc as plsc

VOCAB_SIZE = 1000000
EMBED_DIM = 32

NUM_CORES = 2
NUM_SUBCORES = 16
NUM_WORKERS = NUM_CORES * NUM_SUBCORES

B_TOTAL = 4096 * 200
B_PER_W = B_TOTAL // NUM_WORKERS
IDX_MINOR = 128
ROWS_PER_W = B_PER_W // IDX_MINOR
STREAMS_PER_CHUNK = 5
CHUNK = STREAMS_PER_CHUNK * IDX_MINOR
N_CHUNKS = B_PER_W // CHUNK
N_BUF = 4


def _gather_body(idx_hbm, table_hbm, out_hbm, idx_v,
                 buf0, buf1, buf2, buf3,
                 g0, g1, g2, g3, s0, s1, s2, s3):
    bufs = [buf0, buf1, buf2, buf3]
    gsems = [g0, g1, g2, g3]
    ssems = [s0, s1, s2, s3]

    wid = lax.axis_index("s") * NUM_CORES + lax.axis_index("c")
    pltpu.sync_copy(idx_hbm.at[pl.ds(wid * ROWS_PER_W, ROWS_PER_W)], idx_v)
    out_base = wid * B_PER_W

    def fire_gathers(c, b):
        j0 = c * STREAMS_PER_CHUNK
        for t in range(STREAMS_PER_CHUNK):
            pltpu.async_copy(
                table_hbm.at[idx_v.at[j0 + t]],
                bufs[b].at[pl.ds(t * IDX_MINOR, IDX_MINOR)],
                gsems[b],
            )

    def fire_store(c, b):
        pltpu.async_copy(
            bufs[b], out_hbm.at[pl.ds(out_base + c * CHUNK, CHUNK)], ssems[b]
        )

    def drain(sem, b):
        pltpu.make_async_copy(out_hbm.at[pl.ds(0, CHUNK)], bufs[b], sem).wait()

    for c in range(N_BUF - 1):
        fire_gathers(c, c)
    drain(gsems[0], 0)
    fire_store(0, 0)
    fire_gathers(3, 3)

    def main_body(i, carry):
        for off in range(N_BUF):
            s = N_BUF * i + 1 + off
            b = (1 + off) % N_BUF
            bn = (b + 3) % N_BUF
            drain(ssems[bn], bn)
            fire_gathers(s + 3, bn)
            drain(gsems[b], b)
            fire_store(s, b)
        return carry

    lax.fori_loop(0, (N_CHUNKS - N_BUF) // N_BUF, main_body, 0)

    for s in range(N_CHUNKS - 3, N_CHUNKS):
        b = s % N_BUF
        drain(gsems[b], b)
        fire_store(s, b)
    for b in range(N_BUF):
        drain(ssems[b], b)


@jax.jit
def _embed_gather(word_flat_2d, table):
    mesh = plsc.VectorSubcoreMesh(
        core_axis_name="c",
        subcore_axis_name="s",
        num_cores=NUM_CORES,
        num_subcores=NUM_SUBCORES,
    )
    return pl.kernel(
        _gather_body,
        out_type=jax.ShapeDtypeStruct((B_TOTAL, EMBED_DIM), jnp.float32),
        mesh=mesh,
        scratch_types=(
            [pltpu.VMEM((ROWS_PER_W, IDX_MINOR), jnp.int32)]
            + [pltpu.VMEM((CHUNK, EMBED_DIM), jnp.float32) for _ in range(N_BUF)]
            + [pltpu.SemaphoreType.DMA for _ in range(2 * N_BUF)]
        ),
        compiler_params=pltpu.CompilerParams(use_tc_tiling_on_sc=False),
    )(word_flat_2d, table)


def kernel(word_sequences, table):
    n, l = word_sequences.shape
    idx = word_sequences.astype(jnp.int32).reshape(B_TOTAL // IDX_MINOR, IDX_MINOR)
    out = _embed_gather(idx, table)
    return out.reshape(n, l, EMBED_DIM)

# --- scband reference (transcript-rebuilt; emitter-appended) ---
"""Pipeline reference for scband-default-lexer-12601434046861 (READ-ONLY COPY).

The authoritative reference and input builder live on the scoring server;
editing this copy changes nothing except your own understanding.
"""

import jax, jax.numpy as jnp
import numpy as np

VOCAB_SIZE = 1000000
EMBED_DIM = 32
PAD_IDX = 0

def setup_inputs(seed: int = 0) -> dict:
    key = jax.random.key(seed)
    k1, k2 = jax.random.split(key)
    word_sequences = jax.random.randint(k1, (4096, 200), 0, VOCAB_SIZE, dtype=jnp.int64 if jax.config.jax_enable_x64 else jnp.int32)
    table = jax.random.normal(k2, (VOCAB_SIZE, EMBED_DIM), dtype=jnp.float32)
    # padding_idx row is zero, as in nn.Embedding(padding_idx=PAD_IDX)
    table = table.at[PAD_IDX].set(0.0)
    return {"word_sequences": word_sequences, "table": table}

def reference(word_sequences, table):
    # nn.Embedding forward: gather rows of the embedding table.
    # Row PAD_IDX is forced to zero (padding_idx semantics).
    table_eff = table.at[PAD_IDX].set(0.0)
    return jnp.take(table_eff, word_sequences, axis=0)

if __name__ == "__main__":
    import jax
    _d = setup_inputs()
    print(jax.jit(kernel)(*tuple(_d.values())))

</pallas_src>

<mosaic_0001>
#map = affine_map<(d0, d1) -> (0, 0)>
module attributes {stable_mosaic.version = 14 : i64} {
  func.func @_gather_body(%arg0: i32, %arg1: i32, %arg2: memref<6400x128xi32, #tpu.memory_space<hbm>>, %arg3: memref<1000000x32xf32, #tpu.memory_space<hbm>>, %arg4: memref<819200x32xf32, #tpu.memory_space<hbm>>, %arg5: memref<200x128xi32, #tpu.memory_space<vmem>>, %arg6: memref<640x32xf32, #tpu.memory_space<vmem>>, %arg7: memref<640x32xf32, #tpu.memory_space<vmem>>, %arg8: memref<640x32xf32, #tpu.memory_space<vmem>>, %arg9: memref<640x32xf32, #tpu.memory_space<vmem>>, %arg10: memref<!tpu.dma_semaphore, #tpu.memory_space<semaphore_mem>>, %arg11: memref<!tpu.dma_semaphore, #tpu.memory_space<semaphore_mem>>, %arg12: memref<!tpu.dma_semaphore, #tpu.memory_space<semaphore_mem>>, %arg13: memref<!tpu.dma_semaphore, #tpu.memory_space<semaphore_mem>>, %arg14: memref<!tpu.dma_semaphore, #tpu.memory_space<semaphore_mem>>, %arg15: memref<!tpu.dma_semaphore, #tpu.memory_space<semaphore_mem>>, %arg16: memref<!tpu.dma_semaphore, #tpu.memory_space<semaphore_mem>>, %arg17: memref<!tpu.dma_semaphore, #tpu.memory_space<semaphore_mem>>) attributes {dimension_semantics = [#tpu.dimension_semantics<core_parallel>, #tpu.dimension_semantics<subcore_parallel>], iteration_bounds = array<i64: 2, 16>, scalar_prefetch = 0 : i64, scratch_operands = 13 : i64, tpu.core_type = #tpu.core_type<sc_vector_subcore>, window_params = [{transform_indices = #map}, {transform_indices = #map}, {transform_indices = #map}]} {
    %mul3A = arith.constant 2 : i32
    %mul3A_0 = arith.muli %arg1, %mul3A : i32
    %add3A = arith.addi %mul3A_0, %arg0 : i32
    %mul3A_1 = arith.constant 200 : i32
    %mul3A_2 = arith.muli %add3A, %mul3A_1 : i32
    "tpu.region"() ({
      %run_scoped3A = tpu.sem_alloc : memref<!tpu.dma_semaphore, #tpu.memory_space<semaphore_mem>>
      %dma_start3A_280 = arith.constant 0 : i32
      %dma_start3A_281 = tpu.memref_slice %arg2[%mul3A_2, %dma_start3A_280] : memref<6400x128xi32, #tpu.memory_space<hbm>> -> memref<200x128xi32, #tpu.memory_space<hbm>>
      %dma_start3A_282 = arith.constant 0 : i32
      %dma_start3A_283 = tpu.memref_slice %arg2[%mul3A_2, %dma_start3A_282] : memref<6400x128xi32, #tpu.memory_space<hbm>> -> memref<200x128xi32, #tpu.memory_space<hbm>>
      tpu.enqueue_dma source(%dma_start3A_283 : memref<200x128xi32, #tpu.memory_space<hbm>>) target(%arg5 : memref<200x128xi32, #tpu.memory_space<vmem>>) target_semaphore(%run_scoped3A : memref<!tpu.dma_semaphore, #tpu.memory_space<semaphore_mem>>)
      %dma_wait3A_284 = arith.constant 0 : i32
      %dma_wait3A_285 = tpu.memref_slice %arg2[%mul3A_2, %dma_wait3A_284] : memref<6400x128xi32, #tpu.memory_space<hbm>> -> memref<200x128xi32, #tpu.memory_space<hbm>>
      %dma_wait3A_286 = arith.constant 0 : i32
      %dma_wait3A_287 = tpu.memref_slice %arg2[%mul3A_2, %dma_wait3A_286] : memref<6400x128xi32, #tpu.memory_space<hbm>> -> memref<200x128xi32, #tpu.memory_space<hbm>>
      tpu.wait_dma2 semaphore(%run_scoped3A : memref<!tpu.dma_semaphore, #tpu.memory_space<semaphore_mem>>) src(%dma_wait3A_287 : memref<200x128xi32, #tpu.memory_space<hbm>>) dst(%arg5 : memref<200x128xi32, #tpu.memory_space<vmem>>)
      tpu.yield
    }) : () -> ()
    %mul3A_3 = arith.constant 25600 : i32
    %mul3A_4 = arith.muli %add3A, %mul3A_3 : i32
    %dma_start3A = arith.constant 0 : i32
    %dma_start3A_5 = arith.constant 0 : i32
    %dma_start3A_6 = arith.constant 0 : i32
    %dma_start3A_7 = tpu.memref_slice %arg6[%dma_start3A_5, %dma_start3A_6] : memref<640x32xf32, #tpu.memory_space<vmem>> -> memref<128x32xf32, #tpu.memory_space<vmem>>
    %dma_start3A_8 = arith.constant 0 : i32
    %dma_start3A_9 = tpu.memref_slice %arg5[%dma_start3A, %dma_start3A_8] : memref<200x128xi32, #tpu.memory_space<vmem>> -> memref<1x128xi32, #tpu.memory_space<vmem>>
    %dma_start3A_10 = tpu.memref_squeeze %dma_start3A_9 : memref<1x128xi32, #tpu.memory_space<vmem>> -> memref<128xi32, #tpu.memory_space<vmem>>
    %dma_start3A_11 = arith.constant 0 : i32
    %dma_start3A_12 = arith.constant 0 : i32
    %dma_start3A_13 = tpu.memref_slice %arg3[%dma_start3A_11, %dma_start3A_12] : memref<1000000x32xf32, #tpu.memory_space<hbm>> -> memref<1000000x32xf32, #tpu.memory_space<hbm>>
    tpu.enqueue_indirect_dma source(%dma_start3A_13 : memref<1000000x32xf32, #tpu.memory_space<hbm>>) target(%dma_start3A_7 : memref<128x32xf32, #tpu.memory_space<vmem>>) offsets(%dma_start3A_10 : memref<128xi32, #tpu.memory_space<vmem>>) semaphore(%arg10 : memref<!tpu.dma_semaphore, #tpu.memory_space<semaphore_mem>>)
    %dma_start3A_14 = arith.constant 1 : i32
    %dma_start3A_15 = arith.constant 128 : i32
    %dma_start3A_16 = arith.constant 0 : i32
    %dma_start3A_17 = tpu.memref_slice %arg6[%dma_start3A_15, %dma_start3A_16] : memref<640x32xf32, #tpu.memory_space<vmem>> -> memref<128x32xf32, #tpu.memory_space<vmem>>
    %dma_start3A_18 = arith.constant 0 : i32
    %dma_start3A_19 = tpu.memref_slice %arg5[%dma_start3A_14, %dma_start3A_18] : memref<200x128xi32, #tpu.memory_space<vmem>> -> memref<1x128xi32, #tpu.memory_space<vmem>>
    %dma_start3A_20 = tpu.memref_squeeze %dma_start3A_19 : memref<1x128xi32, #tpu.memory_space<vmem>> -> memref<128xi32, #tpu.memory_space<vmem>>
    %dma_start3A_21 = arith.constant 0 : i32
    %dma_start3A_22 = arith.constant 0 : i32
    %dma_start3A_23 = tpu.memref_slice %arg3[%dma_start3A_21, %dma_start3A_22] : memref<1000000x32xf32, #tpu.memory_space<hbm>> -> memref<1000000x32xf32, #tpu.memory_space<hbm>>
    tpu.enqueue_indirect_dma source(%dma_start3A_23 : memref<1000000x32xf32, #tpu.memory_space<hbm>>) target(%dma_start3A_17 : memref<128x32xf32, #tpu.memory_space<vmem>>) offsets(%dma_start3A_20 : memref<128xi32, #tpu.memory_space<vmem>>) semaphore(%arg10 : memref<!tpu.dma_semaphore, #tpu.memory_space<semaphore_mem>>)
    %dma_start3A_24 = arith.constant 2 : i32
    %dma_start3A_25 = arith.constant 256 : i32
    %dma_start3A_26 = arith.constant 0 : i32
    %dma_start3A_27 = tpu.memref_slice %arg6[%dma_start3A_25, %dma_start3A_26] : memref<640x32xf32, #tpu.memory_space<vmem>> -> memref<128x32xf32, #tpu.memory_space<vmem>>
    %dma_start3A_28 = arith.constant 0 : i32
    %dma_start3A_29 = tpu.memref_slice %arg5[%dma_start3A_24, %dma_start3A_28] : memref<200x128xi32, #tpu.memory_space<vmem>> -> memref<1x128xi32, #tpu.memory_space<vmem>>
    %dma_start3A_30 = tpu.memref_squeeze %dma_start3A_29 : memref<1x128xi32, #tpu.memory_space<vmem>> -> memref<128xi32, #tpu.memory_space<vmem>>
    %dma_start3A_31 = arith.constant 0 : i32
    %dma_start3A_32 = arith.constant 0 : i32
    %dma_start3A_33 = tpu.memref_slice %arg3[%dma_start3A_31, %dma_start3A_32] : memref<1000000x32xf32, #tpu.memory_space<hbm>> -> memref<1000000x32xf32, #tpu.memory_space<hbm>>
    tpu.enqueue_indirect_dma source(%dma_start3A_33 : memref<1000000x32xf32, #tpu.memory_space<hbm>>) target(%dma_start3A_27 : memref<128x32xf32, #tpu.memory_space<vmem>>) offsets(%dma_start3A_30 : memref<128xi32, #tpu.memory_space<vmem>>) semaphore(%arg10 : memref<!tpu.dma_semaphore, #tpu.memory_space<semaphore_mem>>)
    %dma_start3A_34 = arith.constant 3 : i32
    %dma_start3A_35 = arith.constant 384 : i32
    %dma_start3A_36 = arith.constant 0 : i32
    %dma_start3A_37 = tpu.memref_slice %arg6[%dma_start3A_35, %dma_start3A_36] : memref<640x32xf32, #tpu.memory_space<vmem>> -> memref<128x32xf32, #tpu.memory_space<vmem>>
    %dma_start3A_38 = arith.constant 0 : i32
    %dma_start3A_39 = tpu.memref_slice %arg5[%dma_start3A_34, %dma_start3A_38] : memref<200x128xi32, #tpu.memory_space<vmem>> -> memref<1x128xi32, #tpu.memory_space<vmem>>
    %dma_start3A_40 = tpu.memref_squeeze %dma_start3A_39 : memref<1x128xi32, #tpu.memory_space<vmem>> -> memref<128xi32, #tpu.memory_space<vmem>>
    %dma_start3A_41 = arith.constant 0 : i32
    %dma_start3A_42 = arith.constant 0 : i32
    %dma_start3A_43 = tpu.memref_slice %arg3[%dma_start3A_41, %dma_start3A_42] : memref<1000000x32xf32, #tpu.memory_space<hbm>> -> memref<1000000x32xf32, #tpu.memory_space<hbm>>
    tpu.enqueue_indirect_dma source(%dma_start3A_43 : memref<1000000x32xf32, #tpu.memory_space<hbm>>) target(%dma_start3A_37 : memref<128x32xf32, #tpu.memory_space<vmem>>) offsets(%dma_start3A_40 : memref<128xi32, #tpu.memory_space<vmem>>) semaphore(%arg10 : memref<!tpu.dma_semaphore, #tpu.memory_space<semaphore_mem>>)
    %dma_start3A_44 = arith.constant 4 : i32
    %dma_start3A_45 = arith.constant 512 : i32
    %dma_start3A_46 = arith.constant 0 : i32
    %dma_start3A_47 = tpu.memref_slice %arg6[%dma_start3A_45, %dma_start3A_46] : memref<640x32xf32, #tpu.memory_space<vmem>> -> memref<128x32xf32, #tpu.memory_space<vmem>>
    %dma_start3A_48 = arith.constant 0 : i32
    %dma_start3A_49 = tpu.memref_slice %arg5[%dma_start3A_44, %dma_start3A_48] : memref<200x128xi32, #tpu.memory_space<vmem>> -> memref<1x128xi32, #tpu.memory_space<vmem>>
    %dma_start3A_50 = tpu.memref_squeeze %dma_start3A_49 : memref<1x128xi32, #tpu.memory_space<vmem>> -> memref<128xi32, #tpu.memory_space<vmem>>
    %dma_start3A_51 = arith.constant 0 : i32
    %dma_start3A_52 = arith.constant 0 : i32
    %dma_start3A_53 = tpu.memref_slice %arg3[%dma_start3A_51, %dma_start3A_52] : memref<1000000x32xf32, #tpu.memory_space<hbm>> -> memref<1000000x32xf32, #tpu.memory_space<hbm>>
    tpu.enqueue_indirect_dma source(%dma_start3A_53 : memref<1000000x32xf32, #tpu.memory_space<hbm>>) target(%dma_start3A_47 : memref<128x32xf32, #tpu.memory_space<vmem>>) offsets(%dma_start3A_50 : memref<128xi32, #tpu.memory_space<vmem>>) semaphore(%arg10 : memref<!tpu.dma_semaphore, #tpu.memory_space<semaphore_mem>>)
    %dma_start3A_54 = arith.constant 5 : i32
    %dma_start3A_55 = arith.constant 0 : i32
    %dma_start3A_56 = arith.constant 0 : i32
    %dma_start3A_57 = tpu.memref_slice %arg7[%dma_start3A_55, %dma_start3A_56] : memref<640x32xf32, #tpu.memory_space<vmem>> -> memref<128x32xf32, #tpu.memory_space<vmem>>
    %dma_start3A_58 = arith.constant 0 : i32
    %dma_start3A_59 = tpu.memref_slice %arg5[%dma_start3A_54, %dma_start3A_58] : memref<200x128xi32, #tpu.memory_space<vmem>> -> memref<1x128xi32, #tpu.memory_space<vmem>>
    %dma_start3A_60 = tpu.memref_squeeze %dma_start3A_59 : memref<1x128xi32, #tpu.memory_space<vmem>> -> memref<128xi32, #tpu.memory_space<vmem>>
    %dma_start3A_61 = arith.constant 0 : i32
    %dma_start3A_62 = arith.constant 0 : i32
    %dma_start3A_63 = tpu.memref_slice %arg3[%dma_start3A_61, %dma_start3A_62] : memref<1000000x32xf32, #tpu.memory_space<hbm>> -> memref<1000000x32xf32, #tpu.memory_space<hbm>>
    tpu.enqueue_indirect_dma source(%dma_start3A_63 : memref<1000000x32xf32, #tpu.memory_space<hbm>>) target(%dma_start3A_57 : memref<128x32xf32, #tpu.memory_space<vmem>>) offsets(%dma_start3A_60 : memref<128xi32, #tpu.memory_space<vmem>>) semaphore(%arg11 : memref<!tpu.dma_semaphore, #tpu.memory_space<semaphore_mem>>)
    %dma_start3A_64 = arith.constant 6 : i32
    %dma_start3A_65 = arith.constant 128 : i32
    %dma_start3A_66 = arith.constant 0 : i32
    %dma_start3A_67 = tpu.memref_slice %arg7[%dma_start3A_65, %dma_start3A_66] : memref<640x32xf32, #tpu.memory_space<vmem>> -> memref<128x32xf32, #tpu.memory_space<vmem>>
    %dma_start3A_68 = arith.constant 0 : i32
    %dma_start3A_69 = tpu.memref_slice %arg5[%dma_start3A_64, %dma_start3A_68] : memref<200x128xi32, #tpu.memory_space<vmem>> -> memref<1x128xi32, #tpu.memory_space<vmem>>
    %dma_start3A_70 = tpu.memref_squeeze %dma_start3A_69 : memref<1x128xi32, #tpu.memory_space<vmem>> -> memref<128xi32, #tpu.memory_space<vmem>>
    %dma_start3A_71 = arith.constant 0 : i32
    %dma_start3A_72 = arith.constant 0 : i32
    %dma_start3A_73 = tpu.memref_slice %arg3[%dma_start3A_71, %dma_start3A_72] : memref<1000000x32xf32, #tpu.memory_space<hbm>> -> memref<1000000x32xf32, #tpu.memory_space<hbm>>
    tpu.enqueue_indirect_dma source(%dma_start3A_73 : memref<1000000x32xf32, #tpu.memory_space<hbm>>) target(%dma_start3A_67 : memref<128x32xf32, #tpu.memory_space<vmem>>) offsets(%dma_start3A_70 : memref<128xi32, #tpu.memory_space<vmem>>) semaphore(%arg11 : memref<!tpu.dma_semaphore, #tpu.memory_space<semaphore_mem>>)
    %dma_start3A_74 = arith.constant 7 : i32
    %dma_start3A_75 = arith.constant 256 : i32
    %dma_start3A_76 = arith.constant 0 : i32
    %dma_start3A_77 = tpu.memref_slice %arg7[%dma_start3A_75, %dma_start3A_76] : memref<640x32xf32, #tpu.memory_space<vmem>> -> memref<128x32xf32, #tpu.memory_space<vmem>>
    %dma_start3A_78 = arith.constant 0 : i32
    %dma_start3A_79 = tpu.memref_slice %arg5[%dma_start3A_74, %dma_start3A_78] : memref<200x128xi32, #tpu.memory_space<vmem>> -> memref<1x128xi32, #tpu.memory_space<vmem>>
    %dma_start3A_80 = tpu.memref_squeeze %dma_start3A_79 : memref<1x128xi32, #tpu.memory_space<vmem>> -> memref<128xi32, #tpu.memory_space<vmem>>
    %dma_start3A_81 = arith.constant 0 : i32
    %dma_start3A_82 = arith.constant 0 : i32
    %dma_start3A_83 = tpu.memref_slice %arg3[%dma_start3A_81, %dma_start3A_82] : memref<1000000x32xf32, #tpu.memory_space<hbm>> -> memref<1000000x32xf32, #tpu.memory_space<hbm>>
    tpu.enqueue_indirect_dma source(%dma_start3A_83 : memref<1000000x32xf32, #tpu.memory_space<hbm>>) target(%dma_start3A_77 : memref<128x32xf32, #tpu.memory_space<vmem>>) offsets(%dma_start3A_80 : memref<128xi32, #tpu.memory_space<vmem>>) semaphore(%arg11 : memref<!tpu.dma_semaphore, #tpu.memory_space<semaphore_mem>>)
    %dma_start3A_84 = arith.constant 8 : i32
    %dma_start3A_85 = arith.constant 384 : i32
    %dma_start3A_86 = arith.constant 0 : i32
    %dma_start3A_87 = tpu.memref_slice %arg7[%dma_start3A_85, %dma_start3A_86] : memref<640x32xf32, #tpu.memory_space<vmem>> -> memref<128x32xf32, #tpu.memory_space<vmem>>
    %dma_start3A_88 = arith.constant 0 : i32
    %dma_start3A_89 = tpu.memref_slice %arg5[%dma_start3A_84, %dma_start3A_88] : memref<200x128xi32, #tpu.memory_space<vmem>> -> memref<1x128xi32, #tpu.memory_space<vmem>>
    %dma_start3A_90 = tpu.memref_squeeze %dma_start3A_89 : memref<1x128xi32, #tpu.memory_space<vmem>> -> memref<128xi32, #tpu.memory_space<vmem>>
    %dma_start3A_91 = arith.constant 0 : i32
    %dma_start3A_92 = arith.constant 0 : i32
    %dma_start3A_93 = tpu.memref_slice %arg3[%dma_start3A_91, %dma_start3A_92] : memref<1000000x32xf32, #tpu.memory_space<hbm>> -> memref<1000000x32xf32, #tpu.memory_space<hbm>>
    tpu.enqueue_indirect_dma source(%dma_start3A_93 : memref<1000000x32xf32, #tpu.memory_space<hbm>>) target(%dma_start3A_87 : memref<128x32xf32, #tpu.memory_space<vmem>>) offsets(%dma_start3A_90 : memref<128xi32, #tpu.memory_space<vmem>>) semaphore(%arg11 : memref<!tpu.dma_semaphore, #tpu.memory_space<semaphore_mem>>)
    %dma_start3A_94 = arith.constant 9 : i32
    %dma_start3A_95 = arith.constant 512 : i32
    %dma_start3A_96 = arith.constant 0 : i32
    %dma_start3A_97 = tpu.memref_slice %arg7[%dma_start3A_95, %dma_start3A_96] : memref<640x32xf32, #tpu.memory_space<vmem>> -> memref<128x32xf32, #tpu.memory_space<vmem>>
    %dma_start3A_98 = arith.constant 0 : i32
    %dma_start3A_99 = tpu.memref_slice %arg5[%dma_start3A_94, %dma_start3A_98] : memref<200x128xi32, #tpu.memory_space<vmem>> -> memref<1x128xi32, #tpu.memory_space<vmem>>
    %dma_start3A_100 = tpu.memref_squeeze %dma_start3A_99 : memref<1x128xi32, #tpu.memory_space<vmem>> -> memref<128xi32, #tpu.memory_space<vmem>>
    %dma_start3A_101 = arith.constant 0 : i32
    %dma_start3A_102 = arith.constant 0 : i32
    %dma_start3A_103 = tpu.memref_slice %arg3[%dma_start3A_101, %dma_start3A_102] : memref<1000000x32xf32, #tpu.memory_space<hbm>> -> memref<1000000x32xf32, #tpu.memory_space<hbm>>
    tpu.enqueue_indirect_dma source(%dma_start3A_103 : memref<1000000x32xf32, #tpu.memory_space<hbm>>) target(%dma_start3A_97 : memref<128x32xf32, #tpu.memory_space<vmem>>) offsets(%dma_start3A_100 : memref<128xi32, #tpu.memory_space<vmem>>) semaphore(%arg11 : memref<!tpu.dma_semaphore, #tpu.memory_space<semaphore_mem>>)
    %dma_start3A_104 = arith.constant 10 : i32
    %dma_start3A_105 = arith.constant 0 : i32
    %dma_start3A_106 = arith.constant 0 : i32
    %dma_start3A_107 = tpu.memref_slice %arg8[%dma_start3A_105, %dma_start3A_106] : memref<640x32xf32, #tpu.memory_space<vmem>> -> memref<128x32xf32, #tpu.memory_space<vmem>>
    %dma_start3A_108 = arith.constant 0 : i32
    %dma_start3A_109 = tpu.memref_slice %arg5[%dma_start3A_104, %dma_start3A_108] : memref<200x128xi32, #tpu.memory_space<vmem>> -> memref<1x128xi32, #tpu.memory_space<vmem>>
    %dma_start3A_110 = tpu.memref_squeeze %dma_start3A_109 : memref<1x128xi32, #tpu.memory_space<vmem>> -> memref<128xi32, #tpu.memory_space<vmem>>
    %dma_start3A_111 = arith.constant 0 : i32
    %dma_start3A_112 = arith.constant 0 : i32
    %dma_start3A_113 = tpu.memref_slice %arg3[%dma_start3A_111, %dma_start3A_112] : memref<1000000x32xf32, #tpu.memory_space<hbm>> -> memref<1000000x32xf32, #tpu.memory_space<hbm>>
    tpu.enqueue_indirect_dma source(%dma_start3A_113 : memref<1000000x32xf32, #tpu.memory_space<hbm>>) target(%dma_start3A_107 : memref<128x32xf32, #tpu.memory_space<vmem>>) offsets(%dma_start3A_110 : memref<128xi32, #tpu.memory_space<vmem>>) semaphore(%arg12 : memref<!tpu.dma_semaphore, #tpu.memory_space<semaphore_mem>>)
    %dma_start3A_114 = arith.constant 11 : i32
    %dma_start3A_115 = arith.constant 128 : i32
    %dma_start3A_116 = arith.constant 0 : i32
    %dma_start3A_117 = tpu.memref_slice %arg8[%dma_start3A_115, %dma_start3A_116] : memref<640x32xf32, #tpu.memory_space<vmem>> -> memref<128x32xf32, #tpu.memory_space<vmem>>
    %dma_start3A_118 = arith.constant 0 : i32
    %dma_start3A_119 = tpu.memref_slice %arg5[%dma_start3A_114, %dma_start3A_118] : memref<200x128xi32, #tpu.memory_space<vmem>> -> memref<1x128xi32, #tpu.memory_space<vmem>>
    %dma_start3A_120 = tpu.memref_squeeze %dma_start3A_119 : memref<1x128xi32, #tpu.memory_space<vmem>> -> memref<128xi32, #tpu.memory_space<vmem>>
    %dma_start3A_121 = arith.constant 0 : i32
    %dma_start3A_122 = arith.constant 0 : i32
    %dma_start3A_123 = tpu.memref_slice %arg3[%dma_start3A_121, %dma_start3A_122] : memref<1000000x32xf32, #tpu.memory_space<hbm>> -> memref<1000000x32xf32, #tpu.memory_space<hbm>>
    tpu.enqueue_indirect_dma source(%dma_start3A_123 : memref<1000000x32xf32, #tpu.memory_space<hbm>>) target(%dma_start3A_117 : memref<128x32xf32, #tpu.memory_space<vmem>>) offsets(%dma_start3A_120 : memref<128xi32, #tpu.memory_space<vmem>>) semaphore(%arg12 : memref<!tpu.dma_semaphore, #tpu.memory_space<semaphore_mem>>)
    %dma_start3A_124 = arith.constant 12 : i32
    %dma_start3A_125 = arith.constant 256 : i32
    %dma_start3A_126 = arith.constant 0 : i32
    %dma_start3A_127 = tpu.memref_slice %arg8[%dma_start3A_125, %dma_start3A_126] : memref<640x32xf32, #tpu.memory_space<vmem>> -> memref<128x32xf32, #tpu.memory_space<vmem>>
    %dma_start3A_128 = arith.constant 0 : i32
    %dma_start3A_129 = tpu.memref_slice %arg5[%dma_start3A_124, %dma_start3A_128] : memref<200x128xi32, #tpu.memory_space<vmem>> -> memref<1x128xi32, #tpu.memory_space<vmem>>
    %dma_start3A_130 = tpu.memref_squeeze %dma_start3A_129 : memref<1x128xi32, #tpu.memory_space<vmem>> -> memref<128xi32, #tpu.memory_space<vmem>>
    %dma_start3A_131 = arith.constant 0 : i32
    %dma_start3A_132 = arith.constant 0 : i32
    %dma_start3A_133 = tpu.memref_slice %arg3[%dma_start3A_131, %dma_start3A_132] : memref<1000000x32xf32, #tpu.memory_space<hbm>> -> memref<1000000x32xf32, #tpu.memory_space<hbm>>
    tpu.enqueue_indirect_dma source(%dma_start3A_133 : memref<1000000x32xf32, #tpu.memory_space<hbm>>) target(%dma_start3A_127 : memref<128x32xf32, #tpu.memory_space<vmem>>) offsets(%dma_start3A_130 : memref<128xi32, #tpu.memory_space<vmem>>) semaphore(%arg12 : memref<!tpu.dma_semaphore, #tpu.memory_space<semaphore_mem>>)
    %dma_start3A_134 = arith.constant 13 : i32
    %dma_start3A_135 = arith.constant 384 : i32
    %dma_start3A_136 = arith.constant 0 : i32
    %dma_start3A_137 = tpu.memref_slice %arg8[%dma_start3A_135, %dma_start3A_136] : memref<640x32xf32, #tpu.memory_space<vmem>> -> memref<128x32xf32, #tpu.memory_space<vmem>>
    %dma_start3A_138 = arith.constant 0 : i32
    %dma_start3A_139 = tpu.memref_slice %arg5[%dma_start3A_134, %dma_start3A_138] : memref<200x128xi32, #tpu.memory_space<vmem>> -> memref<1x128xi32, #tpu.memory_space<vmem>>
    %dma_start3A_140 = tpu.memref_squeeze %dma_start3A_139 : memref<1x128xi32, #tpu.memory_space<vmem>> -> memref<128xi32, #tpu.memory_space<vmem>>
    %dma_start3A_141 = arith.constant 0 : i32
    %dma_start3A_142 = arith.constant 0 : i32
    %dma_start3A_143 = tpu.memref_slice %arg3[%dma_start3A_141, %dma_start3A_142] : memref<1000000x32xf32, #tpu.memory_space<hbm>> -> memref<1000000x32xf32, #tpu.memory_space<hbm>>
    tpu.enqueue_indirect_dma source(%dma_start3A_143 : memref<1000000x32xf32, #tpu.memory_space<hbm>>) target(%dma_start3A_137 : memref<128x32xf32, #tpu.memory_space<vmem>>) offsets(%dma_start3A_140 : memref<128xi32, #tpu.memory_space<vmem>>) semaphore(%arg12 : memref<!tpu.dma_semaphore, #tpu.memory_space<semaphore_mem>>)
    %dma_start3A_144 = arith.constant 14 : i32
    %dma_start3A_145 = arith.constant 512 : i32
    %dma_start3A_146 = arith.constant 0 : i32
    %dma_start3A_147 = tpu.memref_slice %arg8[%dma_start3A_145, %dma_start3A_146] : memref<640x32xf32, #tpu.memory_space<vmem>> -> memref<128x32xf32, #tpu.memory_space<vmem>>
    %dma_start3A_148 = arith.constant 0 : i32
    %dma_start3A_149 = tpu.memref_slice %arg5[%dma_start3A_144, %dma_start3A_148] : memref<200x128xi32, #tpu.memory_space<vmem>> -> memref<1x128xi32, #tpu.memory_space<vmem>>
    %dma_start3A_150 = tpu.memref_squeeze %dma_start3A_149 : memref<1x128xi32, #tpu.memory_space<vmem>> -> memref<128xi32, #tpu.memory_space<vmem>>
    %dma_start3A_151 = arith.constant 0 : i32
    %dma_start3A_152 = arith.constant 0 : i32
    %dma_start3A_153 = tpu.memref_slice %arg3[%dma_start3A_151, %dma_start3A_152] : memref<1000000x32xf32, #tpu.memory_space<hbm>> -> memref<1000000x32xf32, #tpu.memory_space<hbm>>
    tpu.enqueue_indirect_dma source(%dma_start3A_153 : memref<1000000x32xf32, #tpu.memory_space<hbm>>) target(%dma_start3A_147 : memref<128x32xf32, #tpu.memory_space<vmem>>) offsets(%dma_start3A_150 : memref<128xi32, #tpu.memory_space<vmem>>) semaphore(%arg12 : memref<!tpu.dma_semaphore, #tpu.memory_space<semaphore_mem>>)
    %dma_wait3A = arith.constant 0 : i32
    %dma_wait3A_154 = arith.constant 0 : i32
    %dma_wait3A_155 = tpu.memref_slice %arg4[%dma_wait3A, %dma_wait3A_154] : memref<819200x32xf32, #tpu.memory_space<hbm>> -> memref<640x32xf32, #tpu.memory_space<hbm>>
    %dma_wait3A_156 = arith.constant 0 : i32
    %dma_wait3A_157 = arith.constant 0 : i32
    %dma_wait3A_158 = tpu.memref_slice %arg4[%dma_wait3A_156, %dma_wait3A_157] : memref<819200x32xf32, #tpu.memory_space<hbm>> -> memref<640x32xf32, #tpu.memory_space<hbm>>
    tpu.wait_dma2 semaphore(%arg10 : memref<!tpu.dma_semaphore, #tpu.memory_space<semaphore_mem>>) src(%dma_wait3A_158 : memref<640x32xf32, #tpu.memory_space<hbm>>) dst(%arg6 : memref<640x32xf32, #tpu.memory_space<vmem>>)
    %add3A_159 = arith.constant 0 : i32
    %add3A_160 = arith.addi %mul3A_4, %add3A_159 : i32
    %dma_start3A_161 = arith.constant 0 : i32
    %dma_start3A_162 = tpu.memref_slice %arg4[%add3A_160, %dma_start3A_161] : memref<819200x32xf32, #tpu.memory_space<hbm>> -> memref<640x32xf32, #tpu.memory_space<hbm>>
    %dma_start3A_163 = arith.constant 0 : i32
    %dma_start3A_164 = tpu.memref_slice %arg4[%add3A_160, %dma_start3A_163] : memref<819200x32xf32, #tpu.memory_space<hbm>> -> memref<640x32xf32, #tpu.memory_space<hbm>>
    tpu.enqueue_dma source(%arg6 : memref<640x32xf32, #tpu.memory_space<vmem>>) target(%dma_start3A_164 : memref<640x32xf32, #tpu.memory_space<hbm>>) target_semaphore(%arg14 : memref<!tpu.dma_semaphore, #tpu.memory_space<semaphore_mem>>)
    %dma_start3A_165 = arith.constant 15 : i32
    %dma_start3A_166 = arith.constant 0 : i32
    %dma_start3A_167 = arith.constant 0 : i32
    %dma_start3A_168 = tpu.memref_slice %arg9[%dma_start3A_166, %dma_start3A_167] : memref<640x32xf32, #tpu.memory_space<vmem>> -> memref<128x32xf32, #tpu.memory_space<vmem>>
    %dma_start3A_169 = arith.constant 0 : i32
    %dma_start3A_170 = tpu.memref_slice %arg5[%dma_start3A_165, %dma_start3A_169] : memref<200x128xi32, #tpu.memory_space<vmem>> -> memref<1x128xi32, #tpu.memory_space<vmem>>
    %dma_start3A_171 = tpu.memref_squeeze %dma_start3A_170 : memref<1x128xi32, #tpu.memory_space<vmem>> -> memref<128xi32, #tpu.memory_space<vmem>>
    %dma_start3A_172 = arith.constant 0 : i32
    %dma_start3A_173 = arith.constant 0 : i32
    %dma_start3A_174 = tpu.memref_slice %arg3[%dma_start3A_172, %dma_start3A_173] : memref<1000000x32xf32, #tpu.memory_space<hbm>> -> memref<1000000x32xf32, #tpu.memory_space<hbm>>
    tpu.enqueue_indirect_dma source(%dma_start3A_174 : memref<1000000x32xf32, #tpu.memory_space<hbm>>) target(%dma_start3A_168 : memref<128x32xf32, #tpu.memory_space<vmem>>) offsets(%dma_start3A_171 : memref<128xi32, #tpu.memory_space<vmem>>) semaphore(%arg13 : memref<!tpu.dma_semaphore, #tpu.memory_space<semaphore_mem>>)
    %dma_start3A_175 = arith.constant 16 : i32
    %dma_start3A_176 = arith.constant 128 : i32
    %dma_start3A_177 = arith.constant 0 : i32
    %dma_start3A_178 = tpu.memref_slice %arg9[%dma_start3A_176, %dma_start3A_177] : memref<640x32xf32, #tpu.memory_space<vmem>> -> memref<128x32xf32, #tpu.memory_space<vmem>>
    %dma_start3A_179 = arith.constant 0 : i32
    %dma_start3A_180 = tpu.memref_slice %arg5[%dma_start3A_175, %dma_start3A_179] : memref<200x128xi32, #tpu.memory_space<vmem>> -> memref<1x128xi32, #tpu.memory_space<vmem>>
    %dma_start3A_181 = tpu.memref_squeeze %dma_start3A_180 : memref<1x128xi32, #tpu.memory_space<vmem>> -> memref<128xi32, #tpu.memory_space<vmem>>
    %dma_start3A_182 = arith.constant 0 : i32
    %dma_start3A_183 = arith.constant 0 : i32
    %dma_start3A_184 = tpu.memref_slice %arg3[%dma_start3A_182, %dma_start3A_183] : memref<1000000x32xf32, #tpu.memory_space<hbm>> -> memref<1000000x32xf32, #tpu.memory_space<hbm>>
    tpu.enqueue_indirect_dma source(%dma_start3A_184 : memref<1000000x32xf32, #tpu.memory_space<hbm>>) target(%dma_start3A_178 : memref<128x32xf32, #tpu.memory_space<vmem>>) offsets(%dma_start3A_181 : memref<128xi32, #tpu.memory_space<vmem>>) semaphore(%arg13 : memref<!tpu.dma_semaphore, #tpu.memory_space<semaphore_mem>>)
    %dma_start3A_185 = arith.constant 17 : i32
    %dma_start3A_186 = arith.constant 256 : i32
    %dma_start3A_187 = arith.constant 0 : i32
    %dma_start3A_188 = tpu.memref_slice %arg9[%dma_start3A_186, %dma_start3A_187] : memref<640x32xf32, #tpu.memory_space<vmem>> -> memref<128x32xf32, #tpu.memory_space<vmem>>
    %dma_start3A_189 = arith.constant 0 : i32
    %dma_start3A_190 = tpu.memref_slice %arg5[%dma_start3A_185, %dma_start3A_189] : memref<200x128xi32, #tpu.memory_space<vmem>> -> memref<1x128xi32, #tpu.memory_space<vmem>>
    %dma_start3A_191 = tpu.memref_squeeze %dma_start3A_190 : memref<1x128xi32, #tpu.memory_space<vmem>> -> memref<128xi32, #tpu.memory_space<vmem>>
    %dma_start3A_192 = arith.constant 0 : i32
    %dma_start3A_193 = arith.constant 0 : i32
    %dma_start3A_194 = tpu.memref_slice %arg3[%dma_start3A_192, %dma_start3A_193] : memref<1000000x32xf32, #tpu.memory_space<hbm>> -> memref<1000000x32xf32, #tpu.memory_space<hbm>>
    tpu.enqueue_indirect_dma source(%dma_start3A_194 : memref<1000000x32xf32, #tpu.memory_space<hbm>>) target(%dma_start3A_188 : memref<128x32xf32, #tpu.memory_space<vmem>>) offsets(%dma_start3A_191 : memref<128xi32, #tpu.memory_space<vmem>>) semaphore(%arg13 : memref<!tpu.dma_semaphore, #tpu.memory_space<semaphore_mem>>)
    %dma_start3A_195 = arith.constant 18 : i32
    %dma_start3A_196 = arith.constant 384 : i32
    %dma_start3A_197 = arith.constant 0 : i32
    %dma_start3A_198 = tpu.memref_slice %arg9[%dma_start3A_196, %dma_start3A_197] : memref<640x32xf32, #tpu.memory_space<vmem>> -> memref<128x32xf32, #tpu.memory_space<vmem>>
    %dma_start3A_199 = arith.constant 0 : i32
    %dma_start3A_200 = tpu.memref_slice %arg5[%dma_start3A_195, %dma_start3A_199] : memref<200x128xi32, #tpu.memory_space<vmem>> -> memref<1x128xi32, #tpu.memory_space<vmem>>
    %dma_start3A_201 = tpu.memref_squeeze %dma_start3A_200 : memref<1x128xi32, #tpu.memory_space<vmem>> -> memref<128xi32, #tpu.memory_space<vmem>>
    %dma_start3A_202 = arith.constant 0 : i32
    %dma_start3A_203 = arith.constant 0 : i32
    %dma_start3A_204 = tpu.memref_slice %arg3[%dma_start3A_202, %dma_start3A_203] : memref<1000000x32xf32, #tpu.memory_space<hbm>> -> memref<1000000x32xf32, #tpu.memory_space<hbm>>
    tpu.enqueue_indirect_dma source(%dma_start3A_204 : memref<1000000x32xf32, #tpu.memory_space<hbm>>) target(%dma_start3A_198 : memref<128x32xf32, #tpu.memory_space<vmem>>) offsets(%dma_start3A_201 : memref<128xi32, #tpu.memory_space<vmem>>) semaphore(%arg13 : memref<!tpu.dma_semaphore, #tpu.memory_space<semaphore_mem>>)
    %dma_start3A_205 = arith.constant 19 : i32
    %dma_start3A_206 = arith.constant 512 : i32
    %dma_start3A_207 = arith.constant 0 : i32
    %dma_start3A_208 = tpu.memref_slice %arg9[%dma_start3A_206, %dma_start3A_207] : memref<640x32xf32, #tpu.memory_space<vmem>> -> memref<128x32xf32, #tpu.memory_space<vmem>>
    %dma_start3A_209 = arith.constant 0 : i32
    %dma_start3A_210 = tpu.memref_slice %arg5[%dma_start3A_205, %dma_start3A_209] : memref<200x128xi32, #tpu.memory_space<vmem>> -> memref<1x128xi32, #tpu.memory_space<vmem>>
    %dma_start3A_211 = tpu.memref_squeeze %dma_start3A_210 : memref<1x128xi32, #tpu.memory_space<vmem>> -> memref<128xi32, #tpu.memory_space<vmem>>
    %dma_start3A_212 = arith.constant 0 : i32
    %dma_start3A_213 = arith.constant 0 : i32
    %dma_start3A_214 = tpu.memref_slice %arg3[%dma_start3A_212, %dma_start3A_213] : memref<1000000x32xf32, #tpu.memory_space<hbm>> -> memref<1000000x32xf32, #tpu.memory_space<hbm>>
    tpu.enqueue_indirect_dma source(%dma_start3A_214 : memref<1000000x32xf32, #tpu.memory_space<hbm>>) target(%dma_start3A_208 : memref<128x32xf32, #tpu.memory_space<vmem>>) offsets(%dma_start3A_211 : memref<128xi32, #tpu.memory_space<vmem>>) semaphore(%arg13 : memref<!tpu.dma_semaphore, #tpu.memory_space<semaphore_mem>>)
    %scan3A = arith.constant 0 : i32
    %scan3A_215 = arith.constant 0 : i32
    %scan3A_216 = arith.constant 9 : i32
    %scan3A_217 = arith.addi %scan3A_215, %scan3A_216 : i32
    %scan3A_218 = arith.constant 1 : i32
    scf.for %scan3A_280 = %scan3A_215 to %scan3A_217 step %scan3A_218  : i32 {
      %mul3A_281 = arith.constant 4 : i32
      %mul3A_282 = arith.muli %mul3A_281, %scan3A_280 : i32
      %add3A_283 = arith.constant 1 : i32
      %add3A_284 = arith.addi %mul3A_282, %add3A_283 : i32
      %add3A_285 = arith.constant 0 : i32
      %add3A_286 = arith.addi %add3A_284, %add3A_285 : i32
      %dma_wait3A_287 = arith.constant 0 : i32
      %dma_wait3A_288 = arith.constant 0 : i32
      %dma_wait3A_289 = tpu.memref_slice %arg4[%dma_wait3A_287, %dma_wait3A_288] : memref<819200x32xf32, #tpu.memory_space<hbm>> -> memref<640x32xf32, #tpu.memory_space<hbm>>
      %dma_wait3A_290 = arith.constant 0 : i32
      %dma_wait3A_291 = arith.constant 0 : i32
      %dma_wait3A_292 = tpu.memref_slice %arg4[%dma_wait3A_290, %dma_wait3A_291] : memref<819200x32xf32, #tpu.memory_space<hbm>> -> memref<640x32xf32, #tpu.memory_space<hbm>>
      tpu.wait_dma2 semaphore(%arg14 : memref<!tpu.dma_semaphore, #tpu.memory_space<semaphore_mem>>) src(%dma_wait3A_292 : memref<640x32xf32, #tpu.memory_space<hbm>>) dst(%arg6 : memref<640x32xf32, #tpu.memory_space<vmem>>)
      %add3A_293 = arith.constant 3 : i32
      %add3A_294 = arith.addi %add3A_286, %add3A_293 : i32
      %mul3A_295 = arith.constant 5 : i32
      %mul3A_296 = arith.muli %add3A_294, %mul3A_295 : i32
      %add3A_297 = arith.constant 0 : i32
      %add3A_298 = arith.addi %mul3A_296, %add3A_297 : i32
      %dma_start3A_299 = arith.constant 0 : i32
      %dma_start3A_300 = arith.constant 0 : i32
      %dma_start3A_301 = tpu.memref_slice %arg6[%dma_start3A_299, %dma_start3A_300] : memref<640x32xf32, #tpu.memory_space<vmem>> -> memref<128x32xf32, #tpu.memory_space<vmem>>
      %dma_start3A_302 = arith.constant 0 : i32
      %dma_start3A_303 = tpu.memref_slice %arg5[%add3A_298, %dma_start3A_302] : memref<200x128xi32, #tpu.memory_space<vmem>> -> memref<1x128xi32, #tpu.memory_space<vmem>>
      %dma_start3A_304 = tpu.memref_squeeze %dma_start3A_303 : memref<1x128xi32, #tpu.memory_space<vmem>> -> memref<128xi32, #tpu.memory_space<vmem>>
      %dma_start3A_305 = arith.constant 0 : i32
      %dma_start3A_306 = arith.constant 0 : i32
      %dma_start3A_307 = tpu.memref_slice %arg3[%dma_start3A_305, %dma_start3A_306] : memref<1000000x32xf32, #tpu.memory_space<hbm>> -> memref<1000000x32xf32, #tpu.memory_space<hbm>>
      tpu.enqueue_indirect_dma source(%dma_start3A_307 : memref<1000000x32xf32, #tpu.memory_space<hbm>>) target(%dma_start3A_301 : memref<128x32xf32, #tpu.memory_space<vmem>>) offsets(%dma_start3A_304 : memref<128xi32, #tpu.memory_space<vmem>>) semaphore(%arg10 : memref<!tpu.dma_semaphore, #tpu.memory_space<semaphore_mem>>)
      %add3A_308 = arith.constant 1 : i32
      %add3A_309 = arith.addi %mul3A_296, %add3A_308 : i32
      %dma_start3A_310 = arith.constant 128 : i32
      %dma_start3A_311 = arith.constant 0 : i32
      %dma_start3A_312 = tpu.memref_slice %arg6[%dma_start3A_310, %dma_start3A_311] : memref<640x32xf32, #tpu.memory_space<vmem>> -> memref<128x32xf32, #tpu.memory_space<vmem>>
      %dma_start3A_313 = arith.constant 0 : i32
      %dma_start3A_314 = tpu.memref_slice %arg5[%add3A_309, %dma_start3A_313] : memref<200x128xi32, #tpu.memory_space<vmem>> -> memref<1x128xi32, #tpu.memory_space<vmem>>
      %dma_start3A_315 = tpu.memref_squeeze %dma_start3A_314 : memref<1x128xi32, #tpu.memory_space<vmem>> -> memref<128xi32, #tpu.memory_space<vmem>>
      %dma_start3A_316 = arith.constant 0 : i32
      %dma_start3A_317 = arith.constant 0 : i32
      %dma_start3A_318 = tpu.memref_slice %arg3[%dma_start3A_316, %dma_start3A_317] : memref<1000000x32xf32, #tpu.memory_space<hbm>> -> memref<1000000x32xf32, #tpu.memory_space<hbm>>
      tpu.enqueue_indirect_dma source(%dma_start3A_318 : memref<1000000x32xf32, #tpu.memory_space<hbm>>) target(%dma_start3A_312 : memref<128x32xf32, #tpu.memory_space<vmem>>) offsets(%dma_start3A_315 : memref<128xi32, #tpu.memory_space<vmem>>) semaphore(%arg10 : memref<!tpu.dma_semaphore, #tpu.memory_space<semaphore_mem>>)
      %add3A_319 = arith.constant 2 : i32
      %add3A_320 = arith.addi %mul3A_296, %add3A_319 : i32
      %dma_start3A_321 = arith.constant 256 : i32
      %dma_start3A_322 = arith.constant 0 : i32
      %dma_start3A_323 = tpu.memref_slice %arg6[%dma_start3A_321, %dma_start3A_322] : memref<640x32xf32, #tpu.memory_space<vmem>> -> memref<128x32xf32, #tpu.memory_space<vmem>>
      %dma_start3A_324 = arith.constant 0 : i32
      %dma_start3A_325 = tpu.memref_slice %arg5[%add3A_320, %dma_start3A_324] : memref<200x128xi32, #tpu.memory_space<vmem>> -> memref<1x128xi32, #tpu.memory_space<vmem>>
      %dma_start3A_326 = tpu.memref_squeeze %dma_start3A_325 : memref<1x128xi32, #tpu.memory_space<vmem>> -> memref<128xi32, #tpu.memory_space<vmem>>
      %dma_start3A_327 = arith.constant 0 : i32
      %dma_start3A_328 = arith.constant 0 : i32
      %dma_start3A_329 = tpu.memref_slice %arg3[%dma_start3A_327, %dma_start3A_328] : memref<1000000x32xf32, #tpu.memory_space<hbm>> -> memref<1000000x32xf32, #tpu.memory_space<hbm>>
      tpu.enqueue_indirect_dma source(%dma_start3A_329 : memref<1000000x32xf32, #tpu.memory_space<hbm>>) target(%dma_start3A_323 : memref<128x32xf32, #tpu.memory_space<vmem>>) offsets(%dma_start3A_326 : memref<128xi32, #tpu.memory_space<vmem>>) semaphore(%arg10 : memref<!tpu.dma_semaphore, #tpu.memory_space<semaphore_mem>>)
      %add3A_330 = arith.constant 3 : i32
      %add3A_331 = arith.addi %mul3A_296, %add3A_330 : i32
      %dma_start3A_332 = arith.constant 384 : i32
      %dma_start3A_333 = arith.constant 0 : i32
      %dma_start3A_334 = tpu.memref_slice %arg6[%dma_start3A_332, %dma_start3A_333] : memref<640x32xf32, #tpu.memory_space<vmem>> -> memref<128x32xf32, #tpu.memory_space<vmem>>
      %dma_start3A_335 = arith.constant 0 : i32
      %dma_start3A_336 = tpu.memref_slice %arg5[%add3A_331, %dma_start3A_335] : memref<200x128xi32, #tpu.memory_space<vmem>> -> memref<1x128xi32, #tpu.memory_space<vmem>>
      %dma_start3A_337 = tpu.memref_squeeze %dma_start3A_336 : memref<1x128xi32, #tpu.memory_space<vmem>> -> memref<128xi32, #tpu.memory_space<vmem>>
      %dma_start3A_338 = arith.constant 0 : i32
      %dma_start3A_339 = arith.constant 0 : i32
      %dma_start3A_340 = tpu.memref_slice %arg3[%dma_start3A_338, %dma_start3A_339] : memref<1000000x32xf32, #tpu.memory_space<hbm>> -> memref<1000000x32xf32, #tpu.memory_space<hbm>>
      tpu.enqueue_indirect_dma source(%dma_start3A_340 : memref<1000000x32xf32, #tpu.memory_space<hbm>>) target(%dma_start3A_334 : memref<128x32xf32, #tpu.memory_space<vmem>>) offsets(%dma_start3A_337 : memref<128xi32, #tpu.memory_space<vmem>>) semaphore(%arg10 : memref<!tpu.dma_semaphore, #tpu.memory_space<semaphore_mem>>)
      %add3A_341 = arith.constant 4 : i32
      %add3A_342 = arith.addi %mul3A_296, %add3A_341 : i32
      %dma_start3A_343 = arith.constant 512 : i32
      %dma_start3A_344 = arith.constant 0 : i32
      %dma_start3A_345 = tpu.memref_slice %arg6[%dma_start3A_343, %dma_start3A_344] : memref<640x32xf32, #tpu.memory_space<vmem>> -> memref<128x32xf32, #tpu.memory_space<vmem>>
      %dma_start3A_346 = arith.constant 0 : i32
      %dma_start3A_347 = tpu.memref_slice %arg5[%add3A_342, %dma_start3A_346] : memref<200x128xi32, #tpu.memory_space<vmem>> -> memref<1x128xi32, #tpu.memory_space<vmem>>
      %dma_start3A_348 = tpu.memref_squeeze %dma_start3A_347 : memref<1x128xi32, #tpu.memory_space<vmem>> -> memref<128xi32, #tpu.memory_space<vmem>>
      %dma_start3A_349 = arith.constant 0 : i32
      %dma_start3A_350 = arith.constant 0 : i32
      %dma_start3A_351 = tpu.memref_slice %arg3[%dma_start3A_349, %dma_start3A_350] : memref<1000000x32xf32, #tpu.memory_space<hbm>> -> memref<1000000x32xf32, #tpu.memory_space<hbm>>
      tpu.enqueue_indirect_dma source(%dma_start3A_351 : memref<1000000x32xf32, #tpu.memory_space<hbm>>) target(%dma_start3A_345 : memref<128x32xf32, #tpu.memory_space<vmem>>) offsets(%dma_start3A_348 : memref<128xi32, #tpu.memory_space<vmem>>) semaphore(%arg10 : memref<!tpu.dma_semaphore, #tpu.memory_space<semaphore_mem>>)
      %dma_wait3A_352 = arith.constant 0 : i32
      %dma_wait3A_353 = arith.constant 0 : i32
      %dma_wait3A_354 = tpu.memref_slice %arg4[%dma_wait3A_352, %dma_wait3A_353] : memref<819200x32xf32, #tpu.memory_space<hbm>> -> memref<640x32xf32, #tpu.memory_space<hbm>>
      %dma_wait3A_355 = arith.constant 0 : i32
      %dma_wait3A_356 = arith.constant 0 : i32
      %dma_wait3A_357 = tpu.memref_slice %arg4[%dma_wait3A_355, %dma_wait3A_356] : memref<819200x32xf32, #tpu.memory_space<hbm>> -> memref<640x32xf32, #tpu.memory_space<hbm>>
      tpu.wait_dma2 semaphore(%arg11 : memref<!tpu.dma_semaphore, #tpu.memory_space<semaphore_mem>>) src(%dma_wait3A_357 : memref<640x32xf32, #tpu.memory_space<hbm>>) dst(%arg7 : memref<640x32xf32, #tpu.memory_space<vmem>>)
      %mul3A_358 = arith.constant 640 : i32
      %mul3A_359 = arith.muli %add3A_286, %mul3A_358 : i32
      %add3A_360 = arith.addi %mul3A_4, %mul3A_359 : i32
      %dma_start3A_361 = arith.constant 0 : i32
      %dma_start3A_362 = tpu.memref_slice %arg4[%add3A_360, %dma_start3A_361] : memref<819200x32xf32, #tpu.memory_space<hbm>> -> memref<640x32xf32, #tpu.memory_space<hbm>>
      %dma_start3A_363 = arith.constant 0 : i32
      %dma_start3A_364 = tpu.memref_slice %arg4[%add3A_360, %dma_start3A_363] : memref<819200x32xf32, #tpu.memory_space<hbm>> -> memref<640x32xf32, #tpu.memory_space<hbm>>
      tpu.enqueue_dma source(%arg7 : memref<640x32xf32, #tpu.memory_space<vmem>>) target(%dma_start3A_364 : memref<640x32xf32, #tpu.memory_space<hbm>>) target_semaphore(%arg15 : memref<!tpu.dma_semaphore, #tpu.memory_space<semaphore_mem>>)
      %mul3A_365 = arith.constant 4 : i32
      %mul3A_366 = arith.muli %mul3A_365, %scan3A_280 : i32
      %add3A_367 = arith.constant 1 : i32
      %add3A_368 = arith.addi %mul3A_366, %add3A_367 : i32
      %add3A_369 = arith.constant 1 : i32
      %add3A_370 = arith.addi %add3A_368, %add3A_369 : i32
      %dma_wait3A_371 = arith.constant 0 : i32
      %dma_wait3A_372 = arith.constant 0 : i32
      %dma_wait3A_373 = tpu.memref_slice %arg4[%dma_wait3A_371, %dma_wait3A_372] : memref<819200x32xf32, #tpu.memory_space<hbm>> -> memref<640x32xf32, #tpu.memory_space<hbm>>
      %dma_wait3A_374 = arith.constant 0 : i32
      %dma_wait3A_375 = arith.constant 0 : i32
      %dma_wait3A_376 = tpu.memref_slice %arg4[%dma_wait3A_374, %dma_wait3A_375] : memref<819200x32xf32, #tpu.memory_space<hbm>> -> memref<640x32xf32, #tpu.memory_space<hbm>>
      tpu.wait_dma2 semaphore(%arg15 : memref<!tpu.dma_semaphore, #tpu.memory_space<semaphore_mem>>) src(%dma_wait3A_376 : memref<640x32xf32, #tpu.memory_space<hbm>>) dst(%arg7 : memref<640x32xf32, #tpu.memory_space<vmem>>)
      %add3A_377 = arith.constant 3 : i32
      %add3A_378 = arith.addi %add3A_370, %add3A_377 : i32
      %mul3A_379 = arith.constant 5 : i32
      %mul3A_380 = arith.muli %add3A_378, %mul3A_379 : i32
      %add3A_381 = arith.constant 0 : i32
      %add3A_382 = arith.addi %mul3A_380, %add3A_381 : i32
      %dma_start3A_383 = arith.constant 0 : i32
      %dma_start3A_384 = arith.constant 0 : i32
      %dma_start3A_385 = tpu.memref_slice %arg7[%dma_start3A_383, %dma_start3A_384] : memref<640x32xf32, #tpu.memory_space<vmem>> -> memref<128x32xf32, #tpu.memory_space<vmem>>
      %dma_start3A_386 = arith.constant 0 : i32
      %dma_start3A_387 = tpu.memref_slice %arg5[%add3A_382, %dma_start3A_386] : memref<200x128xi32, #tpu.memory_space<vmem>> -> memref<1x128xi32, #tpu.memory_space<vmem>>
      %dma_start3A_388 = tpu.memref_squeeze %dma_start3A_387 : memref<1x128xi32, #tpu.memory_space<vmem>> -> memref<128xi32, #tpu.memory_space<vmem>>
      %dma_start3A_389 = arith.constant 0 : i32
      %dma_start3A_390 = arith.constant 0 : i32
      %dma_start3A_391 = tpu.memref_slice %arg3[%dma_start3A_389, %dma_start3A_390] : memref<1000000x32xf32, #tpu.memory_space<hbm>> -> memref<1000000x32xf32, #tpu.memory_space<hbm>>
      tpu.enqueue_indirect_dma source(%dma_start3A_391 : memref<1000000x32xf32, #tpu.memory_space<hbm>>) target(%dma_start3A_385 : memref<128x32xf32, #tpu.memory_space<vmem>>) offsets(%dma_start3A_388 : memref<128xi32, #tpu.memory_space<vmem>>) semaphore(%arg11 : memref<!tpu.dma_semaphore, #tpu.memory_space<semaphore_mem>>)
      %add3A_392 = arith.constant 1 : i32
      %add3A_393 = arith.addi %mul3A_380, %add3A_392 : i32
      %dma_start3A_394 = arith.constant 128 : i32
      %dma_start3A_395 = arith.constant 0 : i32
      %dma_start3A_396 = tpu.memref_slice %arg7[%dma_start3A_394, %dma_start3A_395] : memref<640x32xf32, #tpu.memory_space<vmem>> -> memref<128x32xf32, #tpu.memory_space<vmem>>
      %dma_start3A_397 = arith.constant 0 : i32
      %dma_start3A_398 = tpu.memref_slice %arg5[%add3A_393, %dma_start3A_397] : memref<200x128xi32, #tpu.memory_space<vmem>> -> memref<1x128xi32, #tpu.memory_space<vmem>>
      %dma_start3A_399 = tpu.memref_squeeze %dma_start3A_398 : memref<1x128xi32, #tpu.memory_space<vmem>> -> memref<128xi32, #tpu.memory_space<vmem>>
      %dma_start3A_400 = arith.constant 0 : i32
      %dma_start3A_401 = arith.constant 0 : i32
      %dma_start3A_402 = tpu.memref_slice %arg3[%dma_start3A_400, %dma_start3A_401] : memref<1000000x32xf32, #tpu.memory_space<hbm>> -> memref<1000000x32xf32, #tpu.memory_space<hbm>>
      tpu.enqueue_indirect_dma source(%dma_start3A_402 : memref<1000000x32xf32, #tpu.memory_space<hbm>>) target(%dma_start3A_396 : memref<128x32xf32, #tpu.memory_space<vmem>>) offsets(%dma_start3A_399 : memref<128xi32, #tpu.memory_space<vmem>>) semaphore(%arg11 : memref<!tpu.dma_semaphore, #tpu.memory_space<semaphore_mem>>)
      %add3A_403 = arith.constant 2 : i32
      %add3A_404 = arith.addi %mul3A_380, %add3A_403 : i32
      %dma_start3A_405 = arith.constant 256 : i32
      %dma_start3A_406 = arith.constant 0 : i32
      %dma_start3A_407 = tpu.memref_slice %arg7[%dma_start3A_405, %dma_start3A_406] : memref<640x32xf32, #tpu.memory_space<vmem>> -> memref<128x32xf32, #tpu.memory_space<vmem>>
      %dma_start3A_408 = arith.constant 0 : i32
      %dma_start3A_409 = tpu.memref_slice %arg5[%add3A_404, %dma_start3A_408] : memref<200x128xi32, #tpu.memory_space<vmem>> -> memref<1x128xi32, #tpu.memory_space<vmem>>
      %dma_start3A_410 = tpu.memref_squeeze %dma_start3A_409 : memref<1x128xi32, #tpu.memory_space<vmem>> -> memref<128xi32, #tpu.memory_space<vmem>>
      %dma_start3A_411 = arith.constant 0 : i32
      %dma_start3A_412 = arith.constant 0 : i32
      %dma_start3A_413 = tpu.memref_slice %arg3[%dma_start3A_411, %dma_start3A_412] : memref<1000000x32xf32, #tpu.memory_space<hbm>> -> memref<1000000x32xf32, #tpu.memory_space<hbm>>
      tpu.enqueue_indirect_dma source(%dma_start3A_413 : memref<1000000x32xf32, #tpu.memory_space<hbm>>) target(%dma_start3A_407 : memref<128x32xf32, #tpu.memory_space<vmem>>) offsets(%dma_start3A_410 : memref<128xi32, #tpu.memory_space<vmem>>) semaphore(%arg11 : memref<!tpu.dma_semaphore, #tpu.memory_space<semaphore_mem>>)
      %add3A_414 = arith.constant 3 : i32
      %add3A_415 = arith.addi %mul3A_380, %add3A_414 : i32
      %dma_start3A_416 = arith.constant 384 : i32
      %dma_start3A_417 = arith.constant 0 : i32
      %dma_start3A_418 = tpu.memref_slice %arg7[%dma_start3A_416, %dma_start3A_417] : memref<640x32xf32, #tpu.memory_space<vmem>> -> memref<128x32xf32, #tpu.memory_space<vmem>>
      %dma_start3A_419 = arith.constant 0 : i32
      %dma_start3A_420 = tpu.memref_slice %arg5[%add3A_415, %dma_start3A_419] : memref<200x128xi32, #tpu.memory_space<vmem>> -> memref<1x128xi32, #tpu.memory_space<vmem>>
      %dma_start3A_421 = tpu.memref_squeeze %dma_start3A_420 : memref<1x128xi32, #tpu.memory_space<vmem>> -> memref<128xi32, #tpu.memory_space<vmem>>
      %dma_start3A_422 = arith.constant 0 : i32
      %dma_start3A_423 = arith.constant 0 : i32
      %dma_start3A_424 = tpu.memref_slice %arg3[%dma_start3A_422, %dma_start3A_423] : memref<1000000x32xf32, #tpu.memory_space<hbm>> -> memref<1000000x32xf32, #tpu.memory_space<hbm>>
      tpu.enqueue_indirect_dma source(%dma_start3A_424 : memref<1000000x32xf32, #tpu.memory_space<hbm>>) target(%dma_start3A_418 : memref<128x32xf32, #tpu.memory_space<vmem>>) offsets(%dma_start3A_421 : memref<128xi32, #tpu.memory_space<vmem>>) semaphore(%arg11 : memref<!tpu.dma_semaphore, #tpu.memory_space<semaphore_mem>>)
      %add3A_425 = arith.constant 4 : i32
      %add3A_426 = arith.addi %mul3A_380, %add3A_425 : i32
      %dma_start3A_427 = arith.constant 512 : i32
      %dma_start3A_428 = arith.constant 0 : i32
      %dma_start3A_429 = tpu.memref_slice %arg7[%dma_start3A_427, %dma_start3A_428] : memref<640x32xf32, #tpu.memory_space<vmem>> -> memref<128x32xf32, #tpu.memory_space<vmem>>
      %dma_start3A_430 = arith.constant 0 : i32
      %dma_start3A_431 = tpu.memref_slice %arg5[%add3A_426, %dma_start3A_430] : memref<200x128xi32, #tpu.memory_space<vmem>> -> memref<1x128xi32, #tpu.memory_space<vmem>>
      %dma_start3A_432 = tpu.memref_squeeze %dma_start3A_431 : memref<1x128xi32, #tpu.memory_space<vmem>> -> memref<128xi32, #tpu.memory_space<vmem>>
      %dma_start3A_433 = arith.constant 0 : i32
      %dma_start3A_434 = arith.constant 0 : i32
      %dma_start3A_435 = tpu.memref_slice %arg3[%dma_start3A_433, %dma_start3A_434] : memref<1000000x32xf32, #tpu.memory_space<hbm>> -> memref<1000000x32xf32, #tpu.memory_space<hbm>>
      tpu.enqueue_indirect_dma source(%dma_start3A_435 : memref<1000000x32xf32, #tpu.memory_space<hbm>>) target(%dma_start3A_429 : memref<128x32xf32, #tpu.memory_space<vmem>>) offsets(%dma_start3A_432 : memref<128xi32, #tpu.memory_space<vmem>>) semaphore(%arg11 : memref<!tpu.dma_semaphore, #tpu.memory_space<semaphore_mem>>)
      %dma_wait3A_436 = arith.constant 0 : i32
      %dma_wait3A_437 = arith.constant 0 : i32
      %dma_wait3A_438 = tpu.memref_slice %arg4[%dma_wait3A_436, %dma_wait3A_437] : memref<819200x32xf32, #tpu.memory_space<hbm>> -> memref<640x32xf32, #tpu.memory_space<hbm>>
      %dma_wait3A_439 = arith.constant 0 : i32
      %dma_wait3A_440 = arith.constant 0 : i32
      %dma_wait3A_441 = tpu.memref_slice %arg4[%dma_wait3A_439, %dma_wait3A_440] : memref<819200x32xf32, #tpu.memory_space<hbm>> -> memref<640x32xf32, #tpu.memory_space<hbm>>
      tpu.wait_dma2 semaphore(%arg12 : memref<!tpu.dma_semaphore, #tpu.memory_space<semaphore_mem>>) src(%dma_wait3A_441 : memref<640x32xf32, #tpu.memory_space<hbm>>) dst(%arg8 : memref<640x32xf32, #tpu.memory_space<vmem>>)
      %mul3A_442 = arith.constant 640 : i32
      %mul3A_443 = arith.muli %add3A_370, %mul3A_442 : i32
      %add3A_444 = arith.addi %mul3A_4, %mul3A_443 : i32
      %dma_start3A_445 = arith.constant 0 : i32
      %dma_start3A_446 = tpu.memref_slice %arg4[%add3A_444, %dma_start3A_445] : memref<819200x32xf32, #tpu.memory_space<hbm>> -> memref<640x32xf32, #tpu.memory_space<hbm>>
      %dma_start3A_447 = arith.constant 0 : i32
      %dma_start3A_448 = tpu.memref_slice %arg4[%add3A_444, %dma_start3A_447] : memref<819200x32xf32, #tpu.memory_space<hbm>> -> memref<640x32xf32, #tpu.memory_space<hbm>>
      tpu.enqueue_dma source(%arg8 : memref<640x32xf32, #tpu.memory_space<vmem>>) target(%dma_start3A_448 : memref<640x32xf32, #tpu.memory_space<hbm>>) target_semaphore(%arg16 : memref<!tpu.dma_semaphore, #tpu.memory_space<semaphore_mem>>)
      %mul3A_449 = arith.constant 4 : i32
      %mul3A_450 = arith.muli %mul3A_449, %scan3A_280 : i32
      %add3A_451 = arith.constant 1 : i32
      %add3A_452 = arith.addi %mul3A_450, %add3A_451 : i32
      %add3A_453 = arith.constant 2 : i32
      %add3A_454 = arith.addi %add3A_452, %add3A_453 : i32
      %dma_wait3A_455 = arith.constant 0 : i32
      %dma_wait3A_456 = arith.constant 0 : i32
      %dma_wait3A_457 = tpu.memref_slice %arg4[%dma_wait3A_455, %dma_wait3A_456] : memref<819200x32xf32, #tpu.memory_space<hbm>> -> memref<640x32xf32, #tpu.memory_space<hbm>>
      %dma_wait3A_458 = arith.constant 0 : i32
      %dma_wait3A_459 = arith.constant 0 : i32
      %dma_wait3A_460 = tpu.memref_slice %arg4[%dma_wait3A_458, %dma_wait3A_459] : memref<819200x32xf32, #tpu.memory_space<hbm>> -> memref<640x32xf32, #tpu.memory_space<hbm>>
      tpu.wait_dma2 semaphore(%arg16 : memref<!tpu.dma_semaphore, #tpu.memory_space<semaphore_mem>>) src(%dma_wait3A_460 : memref<640x32xf32, #tpu.memory_space<hbm>>) dst(%arg8 : memref<640x32xf32, #tpu.memory_space<vmem>>)
      %add3A_461 = arith.constant 3 : i32
      %add3A_462 = arith.addi %add3A_454, %add3A_461 : i32
      %mul3A_463 = arith.constant 5 : i32
      %mul3A_464 = arith.muli %add3A_462, %mul3A_463 : i32
      %add3A_465 = arith.constant 0 : i32
      %add3A_466 = arith.addi %mul3A_464, %add3A_465 : i32
      %dma_start3A_467 = arith.constant 0 : i32
      %dma_start3A_468 = arith.constant 0 : i32
      %dma_start3A_469 = tpu.memref_slice %arg8[%dma_start3A_467, %dma_start3A_468] : memref<640x32xf32, #tpu.memory_space<vmem>> -> memref<128x32xf32, #tpu.memory_space<vmem>>
      %dma_start3A_470 = arith.constant 0 : i32
      %dma_start3A_471 = tpu.memref_slice %arg5[%add3A_466, %dma_start3A_470] : memref<200x128xi32, #tpu.memory_space<vmem>> -> memref<1x128xi32, #tpu.memory_space<vmem>>
      %dma_start3A_472 = tpu.memref_squeeze %dma_start3A_471 : memref<1x128xi32, #tpu.memory_space<vmem>> -> memref<128xi32, #tpu.memory_space<vmem>>
      %dma_start3A_473 = arith.constant 0 : i32
      %dma_start3A_474 = arith.constant 0 : i32
      %dma_start3A_475 = tpu.memref_slice %arg3[%dma_start3A_473, %dma_start3A_474] : memref<1000000x32xf32, #tpu.memory_space<hbm>> -> memref<1000000x32xf32, #tpu.memory_space<hbm>>
      tpu.enqueue_indirect_dma source(%dma_start3A_475 : memref<1000000x32xf32, #tpu.memory_space<hbm>>) target(%dma_start3A_469 : memref<128x32xf32, #tpu.memory_space<vmem>>) offsets(%dma_start3A_472 : memref<128xi32, #tpu.memory_space<vmem>>) semaphore(%arg12 : memref<!tpu.dma_semaphore, #tpu.memory_space<semaphore_mem>>)
      %add3A_476 = arith.constant 1 : i32
      %add3A_477 = arith.addi %mul3A_464, %add3A_476 : i32
      %dma_start3A_478 = arith.constant 128 : i32
      %dma_start3A_479 = arith.constant 0 : i32
      %dma_start3A_480 = tpu.memref_slice %arg8[%dma_start3A_478, %dma_start3A_479] : memref<640x32xf32, #tpu.memory_space<vmem>> -> memref<128x32xf32, #tpu.memory_space<vmem>>
      %dma_start3A_481 = arith.constant 0 : i32
      %dma_start3A_482 = tpu.memref_slice %arg5[%add3A_477, %dma_start3A_481] : memref<200x128xi32, #tpu.memory_space<vmem>> -> memref<1x128xi32, #tpu.memory_space<vmem>>
      %dma_start3A_483 = tpu.memref_squeeze %dma_start3A_482 : memref<1x128xi32, #tpu.memory_space<vmem>> -> memref<128xi32, #tpu.memory_space<vmem>>
      %dma_start3A_484 = arith.constant 0 : i32
      %dma_start3A_485 = arith.constant 0 : i32
      %dma_start3A_486 = tpu.memref_slice %arg3[%dma_start3A_484, %dma_start3A_485] : memref<1000000x32xf32, #tpu.memory_space<hbm>> -> memref<1000000x32xf32, #tpu.memory_space<hbm>>
      tpu.enqueue_indirect_dma source(%dma_start3A_486 : memref<1000000x32xf32, #tpu.memory_space<hbm>>) target(%dma_start3A_480 : memref<128x32xf32, #tpu.memory_space<vmem>>) offsets(%dma_start3A_483 : memref<128xi32, #tpu.memory_space<vmem>>) semaphore(%arg12 : memref<!tpu.dma_semaphore, #tpu.memory_space<semaphore_mem>>)
      %add3A_487 = arith.constant 2 : i32
      %add3A_488 = arith.addi %mul3A_464, %add3A_487 : i32
      %dma_start3A_489 = arith.constant 256 : i32
      %dma_start3A_490 = arith.constant 0 : i32
      %dma_start3A_491 = tpu.memref_slice %arg8[%dma_start3A_489, %dma_start3A_490] : memref<640x32xf32, #tpu.memory_space<vmem>> -> memref<128x32xf32, #tpu.memory_space<vmem>>
      %dma_start3A_492 = arith.constant 0 : i32
      %dma_start3A_493 = tpu.memref_slice %arg5[%add3A_488, %dma_start3A_492] : memref<200x128xi32, #tpu.memory_space<vmem>> -> memref<1x128xi32, #tpu.memory_space<vmem>>
      %dma_start3A_494 = tpu.memref_squeeze %dma_start3A_493 : memref<1x128xi32, #tpu.memory_space<vmem>> -> memref<128xi32, #tpu.memory_space<vmem>>
      %dma_start3A_495 = arith.constant 0 : i32
      %dma_start3A_496 = arith.constant 0 : i32
      %dma_start3A_497 = tpu.memref_slice %arg3[%dma_start3A_495, %dma_start3A_496] : memref<1000000x32xf32, #tpu.memory_space<hbm>> -> memref<1000000x32xf32, #tpu.memory_space<hbm>>
      tpu.enqueue_indirect_dma source(%dma_start3A_497 : memref<1000000x32xf32, #tpu.memory_space<hbm>>) target(%dma_start3A_491 : memref<128x32xf32, #tpu.memory_space<vmem>>) offsets(%dma_start3A_494 : memref<128xi32, #tpu.memory_space<vmem>>) semaphore(%arg12 : memref<!tpu.dma_semaphore, #tpu.memory_space<semaphore_mem>>)
      %add3A_498 = arith.constant 3 : i32
      %add3A_499 = arith.addi %mul3A_464, %add3A_498 : i32
      %dma_start3A_500 = arith.constant 384 : i32
      %dma_start3A_501 = arith.constant 0 : i32
      %dma_start3A_502 = tpu.memref_slice %arg8[%dma_start3A_500, %dma_start3A_501] : memref<640x32xf32, #tpu.memory_space<vmem>> -> memref<128x32xf32, #tpu.memory_space<vmem>>
      %dma_start3A_503 = arith.constant 0 : i32
      %dma_start3A_504 = tpu.memref_slice %arg5[%add3A_499, %dma_start3A_503] : memref<200x128xi32, #tpu.memory_space<vmem>> -> memref<1x128xi32, #tpu.memory_space<vmem>>
      %dma_start3A_505 = tpu.memref_squeeze %dma_start3A_504 : memref<1x128xi32, #tpu.memory_space<vmem>> -> memref<128xi32, #tpu.memory_space<vmem>>
      %dma_start3A_506 = arith.constant 0 : i32
      %dma_start3A_507 = arith.constant 0 : i32
      %dma_start3A_508 = tpu.memref_slice %arg3[%dma_start3A_506, %dma_start3A_507] : memref<1000000x32xf32, #tpu.memory_space<hbm>> -> memref<1000000x32xf32, #tpu.memory_space<hbm>>
      tpu.enqueue_indirect_dma source(%dma_start3A_508 : memref<1000000x32xf32, #tpu.memory_space<hbm>>) target(%dma_start3A_502 : memref<128x32xf32, #tpu.memory_space<vmem>>) offsets(%dma_start3A_505 : memref<128xi32, #tpu.memory_space<vmem>>) semaphore(%arg12 : memref<!tpu.dma_semaphore, #tpu.memory_space<semaphore_mem>>)
      %add3A_509 = arith.constant 4 : i32
      %add3A_510 = arith.addi %mul3A_464, %add3A_509 : i32
      %dma_start3A_511 = arith.constant 512 : i32
      %dma_start3A_512 = arith.constant 0 : i32
      %dma_start3A_513 = tpu.memref_slice %arg8[%dma_start3A_511, %dma_start3A_512] : memref<640x32xf32, #tpu.memory_space<vmem>> -> memref<128x32xf32, #tpu.memory_space<vmem>>
      %dma_start3A_514 = arith.constant 0 : i32
      %dma_start3A_515 = tpu.memref_slice %arg5[%add3A_510, %dma_start3A_514] : memref<200x128xi32, #tpu.memory_space<vmem>> -> memref<1x128xi32, #tpu.memory_space<vmem>>
      %dma_start3A_516 = tpu.memref_squeeze %dma_start3A_515 : memref<1x128xi32, #tpu.memory_space<vmem>> -> memref<128xi32, #tpu.memory_space<vmem>>
      %dma_start3A_517 = arith.constant 0 : i32
      %dma_start3A_518 = arith.constant 0 : i32
      %dma_start3A_519 = tpu.memref_slice %arg3[%dma_start3A_517, %dma_start3A_518] : memref<1000000x32xf32, #tpu.memory_space<hbm>> -> memref<1000000x32xf32, #tpu.memory_space<hbm>>
      tpu.enqueue_indirect_dma source(%dma_start3A_519 : memref<1000000x32xf32, #tpu.memory_space<hbm>>) target(%dma_start3A_513 : memref<128x32xf32, #tpu.memory_space<vmem>>) offsets(%dma_start3A_516 : memref<128xi32, #tpu.memory_space<vmem>>) semaphore(%arg12 : memref<!tpu.dma_semaphore, #tpu.memory_space<semaphore_mem>>)
      %dma_wait3A_520 = arith.constant 0 : i32
      %dma_wait3A_521 = arith.constant 0 : i32
      %dma_wait3A_522 = tpu.memref_slice %arg4[%dma_wait3A_520, %dma_wait3A_521] : memref<819200x32xf32, #tpu.memory_space<hbm>> -> memref<640x32xf32, #tpu.memory_space<hbm>>
      %dma_wait3A_523 = arith.constant 0 : i32
      %dma_wait3A_524 = arith.constant 0 : i32
      %dma_wait3A_525 = tpu.memref_slice %arg4[%dma_wait3A_523, %dma_wait3A_524] : memref<819200x32xf32, #tpu.memory_space<hbm>> -> memref<640x32xf32, #tpu.memory_space<hbm>>
      tpu.wait_dma2 semaphore(%arg13 : memref<!tpu.dma_semaphore, #tpu.memory_space<semaphore_mem>>) src(%dma_wait3A_525 : memref<640x32xf32, #tpu.memory_space<hbm>>) dst(%arg9 : memref<640x32xf32, #tpu.memory_space<vmem>>)
      %mul3A_526 = arith.constant 640 : i32
      %mul3A_527 = arith.muli %add3A_454, %mul3A_526 : i32
      %add3A_528 = arith.addi %mul3A_4, %mul3A_527 : i32
      %dma_start3A_529 = arith.constant 0 : i32
      %dma_start3A_530 = tpu.memref_slice %arg4[%add3A_528, %dma_start3A_529] : memref<819200x32xf32, #tpu.memory_space<hbm>> -> memref<640x32xf32, #tpu.memory_space<hbm>>
      %dma_start3A_531 = arith.constant 0 : i32
      %dma_start3A_532 = tpu.memref_slice %arg4[%add3A_528, %dma_start3A_531] : memref<819200x32xf32, #tpu.memory_space<hbm>> -> memref<640x32xf32, #tpu.memory_space<hbm>>
      tpu.enqueue_dma source(%arg9 : memref<640x32xf32, #tpu.memory_space<vmem>>) target(%dma_start3A_532 : memref<640x32xf32, #tpu.memory_space<hbm>>) target_semaphore(%arg17 : memref<!tpu.dma_semaphore, #tpu.memory_space<semaphore_mem>>)
      %mul3A_533 = arith.constant 4 : i32
      %mul3A_534 = arith.muli %mul3A_533, %scan3A_280 : i32
      %add3A_535 = arith.constant 1 : i32
      %add3A_536 = arith.addi %mul3A_534, %add3A_535 : i32
      %add3A_537 = arith.constant 3 : i32
      %add3A_538 = arith.addi %add3A_536, %add3A_537 : i32
      %dma_wait3A_539 = arith.constant 0 : i32
      %dma_wait3A_540 = arith.constant 0 : i32
      %dma_wait3A_541 = tpu.memref_slice %arg4[%dma_wait3A_539, %dma_wait3A_540] : memref<819200x32xf32, #tpu.memory_space<hbm>> -> memref<640x32xf32, #tpu.memory_space<hbm>>
      %dma_wait3A_542 = arith.constant 0 : i32
      %dma_wait3A_543 = arith.constant 0 : i32
      %dma_wait3A_544 = tpu.memref_slice %arg4[%dma_wait3A_542, %dma_wait3A_543] : memref<819200x32xf32, #tpu.memory_space<hbm>> -> memref<640x32xf32, #tpu.memory_space<hbm>>
      tpu.wait_dma2 semaphore(%arg17 : memref<!tpu.dma_semaphore, #tpu.memory_space<semaphore_mem>>) src(%dma_wait3A_544 : memref<640x32xf32, #tpu.memory_space<hbm>>) dst(%arg9 : memref<640x32xf32, #tpu.memory_space<vmem>>)
      %add3A_545 = arith.constant 3 : i32
      %add3A_546 = arith.addi %add3A_538, %add3A_545 : i32
      %mul3A_547 = arith.constant 5 : i32
      %mul3A_548 = arith.muli %add3A_546, %mul3A_547 : i32
      %add3A_549 = arith.constant 0 : i32
      %add3A_550 = arith.addi %mul3A_548, %add3A_549 : i32
      %dma_start3A_551 = arith.constant 0 : i32
      %dma_start3A_552 = arith.constant 0 : i32
      %dma_start3A_553 = tpu.memref_slice %arg9[%dma_start3A_551, %dma_start3A_552] : memref<640x32xf32, #tpu.memory_space<vmem>> -> memref<128x32xf32, #tpu.memory_space<vmem>>
      %dma_start3A_554 = arith.constant 0 : i32
      %dma_start3A_555 = tpu.memref_slice %arg5[%add3A_550, %dma_start3A_554] : memref<200x128xi32, #tpu.memory_space<vmem>> -> memref<1x128xi32, #tpu.memory_space<vmem>>
      %dma_start3A_556 = tpu.memref_squeeze %dma_start3A_555 : memref<1x128xi32, #tpu.memory_space<vmem>> -> memref<128xi32, #tpu.memory_space<vmem>>
      %dma_start3A_557 = arith.constant 0 : i32
      %dma_start3A_558 = arith.constant 0 : i32
      %dma_start3A_559 = tpu.memref_slice %arg3[%dma_start3A_557, %dma_start3A_558] : memref<1000000x32xf32, #tpu.memory_space<hbm>> -> memref<1000000x32xf32, #tpu.memory_space<hbm>>
      tpu.enqueue_indirect_dma source(%dma_start3A_559 : memref<1000000x32xf32, #tpu.memory_space<hbm>>) target(%dma_start3A_553 : memref<128x32xf32, #tpu.memory_space<vmem>>) offsets(%dma_start3A_556 : memref<128xi32, #tpu.memory_space<vmem>>) semaphore(%arg13 : memref<!tpu.dma_semaphore, #tpu.memory_space<semaphore_mem>>)
      %add3A_560 = arith.constant 1 : i32
      %add3A_561 = arith.addi %mul3A_548, %add3A_560 : i32
      %dma_start3A_562 = arith.constant 128 : i32
      %dma_start3A_563 = arith.constant 0 : i32
      %dma_start3A_564 = tpu.memref_slice %arg9[%dma_start3A_562, %dma_start3A_563] : memref<640x32xf32, #tpu.memory_space<vmem>> -> memref<128x32xf32, #tpu.memory_space<vmem>>
      %dma_start3A_565 = arith.constant 0 : i32
      %dma_start3A_566 = tpu.memref_slice %arg5[%add3A_561, %dma_start3A_565] : memref<200x128xi32, #tpu.memory_space<vmem>> -> memref<1x128xi32, #tpu.memory_space<vmem>>
      %dma_start3A_567 = tpu.memref_squeeze %dma_start3A_566 : memref<1x128xi32, #tpu.memory_space<vmem>> -> memref<128xi32, #tpu.memory_space<vmem>>
      %dma_start3A_568 = arith.constant 0 : i32
      %dma_start3A_569 = arith.constant 0 : i32
      %dma_start3A_570 = tpu.memref_slice %arg3[%dma_start3A_568, %dma_start3A_569] : memref<1000000x32xf32, #tpu.memory_space<hbm>> -> memref<1000000x32xf32, #tpu.memory_space<hbm>>
      tpu.enqueue_indirect_dma source(%dma_start3A_570 : memref<1000000x32xf32, #tpu.memory_space<hbm>>) target(%dma_start3A_564 : memref<128x32xf32, #tpu.memory_space<vmem>>) offsets(%dma_start3A_567 : memref<128xi32, #tpu.memory_space<vmem>>) semaphore(%arg13 : memref<!tpu.dma_semaphore, #tpu.memory_space<semaphore_mem>>)
      %add3A_571 = arith.constant 2 : i32
      %add3A_572 = arith.addi %mul3A_548, %add3A_571 : i32
      %dma_start3A_573 = arith.constant 256 : i32
      %dma_start3A_574 = arith.constant 0 : i32
      %dma_start3A_575 = tpu.memref_slice %arg9[%dma_start3A_573, %dma_start3A_574] : memref<640x32xf32, #tpu.memory_space<vmem>> -> memref<128x32xf32, #tpu.memory_space<vmem>>
      %dma_start3A_576 = arith.constant 0 : i32
      %dma_start3A_577 = tpu.memref_slice %arg5[%add3A_572, %dma_start3A_576] : memref<200x128xi32, #tpu.memory_space<vmem>> -> memref<1x128xi32, #tpu.memory_space<vmem>>
      %dma_start3A_578 = tpu.memref_squeeze %dma_start3A_577 : memref<1x128xi32, #tpu.memory_space<vmem>> -> memref<128xi32, #tpu.memory_space<vmem>>
      %dma_start3A_579 = arith.constant 0 : i32
      %dma_start3A_580 = arith.constant 0 : i32
      %dma_start3A_581 = tpu.memref_slice %arg3[%dma_start3A_579, %dma_start3A_580] : memref<1000000x32xf32, #tpu.memory_space<hbm>> -> memref<1000000x32xf32, #tpu.memory_space<hbm>>
      tpu.enqueue_indirect_dma source(%dma_start3A_581 : memref<1000000x32xf32, #tpu.memory_space<hbm>>) target(%dma_start3A_575 : memref<128x32xf32, #tpu.memory_space<vmem>>) offsets(%dma_start3A_578 : memref<128xi32, #tpu.memory_space<vmem>>) semaphore(%arg13 : memref<!tpu.dma_semaphore, #tpu.memory_space<semaphore_mem>>)
      %add3A_582 = arith.constant 3 : i32
      %add3A_583 = arith.addi %mul3A_548, %add3A_582 : i32
      %dma_start3A_584 = arith.constant 384 : i32
      %dma_start3A_585 = arith.constant 0 : i32
      %dma_start3A_586 = tpu.memref_slice %arg9[%dma_start3A_584, %dma_start3A_585] : memref<640x32xf32, #tpu.memory_space<vmem>> -> memref<128x32xf32, #tpu.memory_space<vmem>>
      %dma_start3A_587 = arith.constant 0 : i32
      %dma_start3A_588 = tpu.memref_slice %arg5[%add3A_583, %dma_start3A_587] : memref<200x128xi32, #tpu.memory_space<vmem>> -> memref<1x128xi32, #tpu.memory_space<vmem>>
      %dma_start3A_589 = tpu.memref_squeeze %dma_start3A_588 : memref<1x128xi32, #tpu.memory_space<vmem>> -> memref<128xi32, #tpu.memory_space<vmem>>
      %dma_start3A_590 = arith.constant 0 : i32
      %dma_start3A_591 = arith.constant 0 : i32
      %dma_start3A_592 = tpu.memref_slice %arg3[%dma_start3A_590, %dma_start3A_591] : memref<1000000x32xf32, #tpu.memory_space<hbm>> -> memref<1000000x32xf32, #tpu.memory_space<hbm>>
      tpu.enqueue_indirect_dma source(%dma_start3A_592 : memref<1000000x32xf32, #tpu.memory_space<hbm>>) target(%dma_start3A_586 : memref<128x32xf32, #tpu.memory_space<vmem>>) offsets(%dma_start3A_589 : memref<128xi32, #tpu.memory_space<vmem>>) semaphore(%arg13 : memref<!tpu.dma_semaphore, #tpu.memory_space<semaphore_mem>>)
      %add3A_593 = arith.constant 4 : i32
      %add3A_594 = arith.addi %mul3A_548, %add3A_593 : i32
      %dma_start3A_595 = arith.constant 512 : i32
      %dma_start3A_596 = arith.constant 0 : i32
      %dma_start3A_597 = tpu.memref_slice %arg9[%dma_start3A_595, %dma_start3A_596] : memref<640x32xf32, #tpu.memory_space<vmem>> -> memref<128x32xf32, #tpu.memory_space<vmem>>
      %dma_start3A_598 = arith.constant 0 : i32
      %dma_start3A_599 = tpu.memref_slice %arg5[%add3A_594, %dma_start3A_598] : memref<200x128xi32, #tpu.memory_space<vmem>> -> memref<1x128xi32, #tpu.memory_space<vmem>>
      %dma_start3A_600 = tpu.memref_squeeze %dma_start3A_599 : memref<1x128xi32, #tpu.memory_space<vmem>> -> memref<128xi32, #tpu.memory_space<vmem>>
      %dma_start3A_601 = arith.constant 0 : i32
      %dma_start3A_602 = arith.constant 0 : i32
      %dma_start3A_603 = tpu.memref_slice %arg3[%dma_start3A_601, %dma_start3A_602] : memref<1000000x32xf32, #tpu.memory_space<hbm>> -> memref<1000000x32xf32, #tpu.memory_space<hbm>>
      tpu.enqueue_indirect_dma source(%dma_start3A_603 : memref<1000000x32xf32, #tpu.memory_space<hbm>>) target(%dma_start3A_597 : memref<128x32xf32, #tpu.memory_space<vmem>>) offsets(%dma_start3A_600 : memref<128xi32, #tpu.memory_space<vmem>>) semaphore(%arg13 : memref<!tpu.dma_semaphore, #tpu.memory_space<semaphore_mem>>)
      %dma_wait3A_604 = arith.constant 0 : i32
      %dma_wait3A_605 = arith.constant 0 : i32
      %dma_wait3A_606 = tpu.memref_slice %arg4[%dma_wait3A_604, %dma_wait3A_605] : memref<819200x32xf32, #tpu.memory_space<hbm>> -> memref<640x32xf32, #tpu.memory_space<hbm>>
      %dma_wait3A_607 = arith.constant 0 : i32
      %dma_wait3A_608 = arith.constant 0 : i32
      %dma_wait3A_609 = tpu.memref_slice %arg4[%dma_wait3A_607, %dma_wait3A_608] : memref<819200x32xf32, #tpu.memory_space<hbm>> -> memref<640x32xf32, #tpu.memory_space<hbm>>
      tpu.wait_dma2 semaphore(%arg10 : memref<!tpu.dma_semaphore, #tpu.memory_space<semaphore_mem>>) src(%dma_wait3A_609 : memref<640x32xf32, #tpu.memory_space<hbm>>) dst(%arg6 : memref<640x32xf32, #tpu.memory_space<vmem>>)
      %mul3A_610 = arith.constant 640 : i32
      %mul3A_611 = arith.muli %add3A_538, %mul3A_610 : i32
      %add3A_612 = arith.addi %mul3A_4, %mul3A_611 : i32
      %dma_start3A_613 = arith.constant 0 : i32
      %dma_start3A_614 = tpu.memref_slice %arg4[%add3A_612, %dma_start3A_613] : memref<819200x32xf32, #tpu.memory_space<hbm>> -> memref<640x32xf32, #tpu.memory_space<hbm>>
      %dma_start3A_615 = arith.constant 0 : i32
      %dma_start3A_616 = tpu.memref_slice %arg4[%add3A_612, %dma_start3A_615] : memref<819200x32xf32, #tpu.memory_space<hbm>> -> memref<640x32xf32, #tpu.memory_space<hbm>>
      tpu.enqueue_dma source(%arg6 : memref<640x32xf32, #tpu.memory_space<vmem>>) target(%dma_start3A_616 : memref<640x32xf32, #tpu.memory_space<hbm>>) target_semaphore(%arg14 : memref<!tpu.dma_semaphore, #tpu.memory_space<semaphore_mem>>)
    }
    %scan3A_219 = arith.constant 9 : i32
    %dma_wait3A_220 = arith.constant 0 : i32
    %dma_wait3A_221 = arith.constant 0 : i32
    %dma_wait3A_222 = tpu.memref_slice %arg4[%dma_wait3A_220, %dma_wait3A_221] : memref<819200x32xf32, #tpu.memory_space<hbm>> -> memref<640x32xf32, #tpu.memory_space<hbm>>
    %dma_wait3A_223 = arith.constant 0 : i32
    %dma_wait3A_224 = arith.constant 0 : i32
    %dma_wait3A_225 = tpu.memref_slice %arg4[%dma_wait3A_223, %dma_wait3A_224] : memref<819200x32xf32, #tpu.memory_space<hbm>> -> memref<640x32xf32, #tpu.memory_space<hbm>>
    tpu.wait_dma2 semaphore(%arg11 : memref<!tpu.dma_semaphore, #tpu.memory_space<semaphore_mem>>) src(%dma_wait3A_225 : memref<640x32xf32, #tpu.memory_space<hbm>>) dst(%arg7 : memref<640x32xf32, #tpu.memory_space<vmem>>)
    %add3A_226 = arith.constant 23680 : i32
    %add3A_227 = arith.addi %mul3A_4, %add3A_226 : i32
    %dma_start3A_228 = arith.constant 0 : i32
    %dma_start3A_229 = tpu.memref_slice %arg4[%add3A_227, %dma_start3A_228] : memref<819200x32xf32, #tpu.memory_space<hbm>> -> memref<640x32xf32, #tpu.memory_space<hbm>>
    %dma_start3A_230 = arith.constant 0 : i32
    %dma_start3A_231 = tpu.memref_slice %arg4[%add3A_227, %dma_start3A_230] : memref<819200x32xf32, #tpu.memory_space<hbm>> -> memref<640x32xf32, #tpu.memory_space<hbm>>
    tpu.enqueue_dma source(%arg7 : memref<640x32xf32, #tpu.memory_space<vmem>>) target(%dma_start3A_231 : memref<640x32xf32, #tpu.memory_space<hbm>>) target_semaphore(%arg15 : memref<!tpu.dma_semaphore, #tpu.memory_space<semaphore_mem>>)
    %dma_wait3A_232 = arith.constant 0 : i32
    %dma_wait3A_233 = arith.constant 0 : i32
    %dma_wait3A_234 = tpu.memref_slice %arg4[%dma_wait3A_232, %dma_wait3A_233] : memref<819200x32xf32, #tpu.memory_space<hbm>> -> memref<640x32xf32, #tpu.memory_space<hbm>>
    %dma_wait3A_235 = arith.constant 0 : i32
    %dma_wait3A_236 = arith.constant 0 : i32
    %dma_wait3A_237 = tpu.memref_slice %arg4[%dma_wait3A_235, %dma_wait3A_236] : memref<819200x32xf32, #tpu.memory_space<hbm>> -> memref<640x32xf32, #tpu.memory_space<hbm>>
    tpu.wait_dma2 semaphore(%arg12 : memref<!tpu.dma_semaphore, #tpu.memory_space<semaphore_mem>>) src(%dma_wait3A_237 : memref<640x32xf32, #tpu.memory_space<hbm>>) dst(%arg8 : memref<640x32xf32, #tpu.memory_space<vmem>>)
    %add3A_238 = arith.constant 24320 : i32
    %add3A_239 = arith.addi %mul3A_4, %add3A_238 : i32
    %dma_start3A_240 = arith.constant 0 : i32
    %dma_start3A_241 = tpu.memref_slice %arg4[%add3A_239, %dma_start3A_240] : memref<819200x32xf32, #tpu.memory_space<hbm>> -> memref<640x32xf32, #tpu.memory_space<hbm>>
    %dma_start3A_242 = arith.constant 0 : i32
    %dma_start3A_243 = tpu.memref_slice %arg4[%add3A_239, %dma_start3A_242] : memref<819200x32xf32, #tpu.memory_space<hbm>> -> memref<640x32xf32, #tpu.memory_space<hbm>>
    tpu.enqueue_dma source(%arg8 : memref<640x32xf32, #tpu.memory_space<vmem>>) target(%dma_start3A_243 : memref<640x32xf32, #tpu.memory_space<hbm>>) target_semaphore(%arg16 : memref<!tpu.dma_semaphore, #tpu.memory_space<semaphore_mem>>)
    %dma_wait3A_244 = arith.constant 0 : i32
    %dma_wait3A_245 = arith.constant 0 : i32
    %dma_wait3A_246 = tpu.memref_slice %arg4[%dma_wait3A_244, %dma_wait3A_245] : memref<819200x32xf32, #tpu.memory_space<hbm>> -> memref<640x32xf32, #tpu.memory_space<hbm>>
    %dma_wait3A_247 = arith.constant 0 : i32
    %dma_wait3A_248 = arith.constant 0 : i32
    %dma_wait3A_249 = tpu.memref_slice %arg4[%dma_wait3A_247, %dma_wait3A_248] : memref<819200x32xf32, #tpu.memory_space<hbm>> -> memref<640x32xf32, #tpu.memory_space<hbm>>
    tpu.wait_dma2 semaphore(%arg13 : memref<!tpu.dma_semaphore, #tpu.memory_space<semaphore_mem>>) src(%dma_wait3A_249 : memref<640x32xf32, #tpu.memory_space<hbm>>) dst(%arg9 : memref<640x32xf32, #tpu.memory_space<vmem>>)
    %add3A_250 = arith.constant 24960 : i32
    %add3A_251 = arith.addi %mul3A_4, %add3A_250 : i32
    %dma_start3A_252 = arith.constant 0 : i32
    %dma_start3A_253 = tpu.memref_slice %arg4[%add3A_251, %dma_start3A_252] : memref<819200x32xf32, #tpu.memory_space<hbm>> -> memref<640x32xf32, #tpu.memory_space<hbm>>
    %dma_start3A_254 = arith.constant 0 : i32
    %dma_start3A_255 = tpu.memref_slice %arg4[%add3A_251, %dma_start3A_254] : memref<819200x32xf32, #tpu.memory_space<hbm>> -> memref<640x32xf32, #tpu.memory_space<hbm>>
    tpu.enqueue_dma source(%arg9 : memref<640x32xf32, #tpu.memory_space<vmem>>) target(%dma_start3A_255 : memref<640x32xf32, #tpu.memory_space<hbm>>) target_semaphore(%arg17 : memref<!tpu.dma_semaphore, #tpu.memory_space<semaphore_mem>>)
    %dma_wait3A_256 = arith.constant 0 : i32
    %dma_wait3A_257 = arith.constant 0 : i32
    %dma_wait3A_258 = tpu.memref_slice %arg4[%dma_wait3A_256, %dma_wait3A_257] : memref<819200x32xf32, #tpu.memory_space<hbm>> -> memref<640x32xf32, #tpu.memory_space<hbm>>
    %dma_wait3A_259 = arith.constant 0 : i32
    %dma_wait3A_260 = arith.constant 0 : i32
    %dma_wait3A_261 = tpu.memref_slice %arg4[%dma_wait3A_259, %dma_wait3A_260] : memref<819200x32xf32, #tpu.memory_space<hbm>> -> memref<640x32xf32, #tpu.memory_space<hbm>>
    tpu.wait_dma2 semaphore(%arg14 : memref<!tpu.dma_semaphore, #tpu.memory_space<semaphore_mem>>) src(%dma_wait3A_261 : memref<640x32xf32, #tpu.memory_space<hbm>>) dst(%arg6 : memref<640x32xf32, #tpu.memory_space<vmem>>)
    %dma_wait3A_262 = arith.constant 0 : i32
    %dma_wait3A_263 = arith.constant 0 : i32
    %dma_wait3A_264 = tpu.memref_slice %arg4[%dma_wait3A_262, %dma_wait3A_263] : memref<819200x32xf32, #tpu.memory_space<hbm>> -> memref<640x32xf32, #tpu.memory_space<hbm>>
    %dma_wait3A_265 = arith.constant 0 : i32
    %dma_wait3A_266 = arith.constant 0 : i32
    %dma_wait3A_267 = tpu.memref_slice %arg4[%dma_wait3A_265, %dma_wait3A_266] : memref<819200x32xf32, #tpu.memory_space<hbm>> -> memref<640x32xf32, #tpu.memory_space<hbm>>
    tpu.wait_dma2 semaphore(%arg15 : memref<!tpu.dma_semaphore, #tpu.memory_space<semaphore_mem>>) src(%dma_wait3A_267 : memref<640x32xf32, #tpu.memory_space<hbm>>) dst(%arg7 : memref<640x32xf32, #tpu.memory_space<vmem>>)
    %dma_wait3A_268 = arith.constant 0 : i32
    %dma_wait3A_269 = arith.constant 0 : i32
    %dma_wait3A_270 = tpu.memref_slice %arg4[%dma_wait3A_268, %dma_wait3A_269] : memref<819200x32xf32, #tpu.memory_space<hbm>> -> memref<640x32xf32, #tpu.memory_space<hbm>>
    %dma_wait3A_271 = arith.constant 0 : i32
    %dma_wait3A_272 = arith.constant 0 : i32
    %dma_wait3A_273 = tpu.memref_slice %arg4[%dma_wait3A_271, %dma_wait3A_272] : memref<819200x32xf32, #tpu.memory_space<hbm>> -> memref<640x32xf32, #tpu.memory_space<hbm>>
    tpu.wait_dma2 semaphore(%arg16 : memref<!tpu.dma_semaphore, #tpu.memory_space<semaphore_mem>>) src(%dma_wait3A_273 : memref<640x32xf32, #tpu.memory_space<hbm>>) dst(%arg8 : memref<640x32xf32, #tpu.memory_space<vmem>>)
    %dma_wait3A_274 = arith.constant 0 : i32
    %dma_wait3A_275 = arith.constant 0 : i32
    %dma_wait3A_276 = tpu.memref_slice %arg4[%dma_wait3A_274, %dma_wait3A_275] : memref<819200x32xf32, #tpu.memory_space<hbm>> -> memref<640x32xf32, #tpu.memory_space<hbm>>
    %dma_wait3A_277 = arith.constant 0 : i32
    %dma_wait3A_278 = arith.constant 0 : i32
    %dma_wait3A_279 = tpu.memref_slice %arg4[%dma_wait3A_277, %dma_wait3A_278] : memref<819200x32xf32, #tpu.memory_space<hbm>> -> memref<640x32xf32, #tpu.memory_space<hbm>>
    tpu.wait_dma2 semaphore(%arg17 : memref<!tpu.dma_semaphore, #tpu.memory_space<semaphore_mem>>) src(%dma_wait3A_279 : memref<640x32xf32, #tpu.memory_space<hbm>>) dst(%arg9 : memref<640x32xf32, #tpu.memory_space<vmem>>)
    return
  }
}

</mosaic_0001>

<sc_bundles>
// kernel: _embed_gather.3.cloned.1.call-start
scs
__scs_entry_jumppad:
0x0: {  	(pc) =	sbr.rel $0x88, $3  }
0x1: {  	(tag) =	ssettag $0x0;
	lr =	simm.s32 $0x1  }
0x2: {  	[smem:$0x3F9F] =	sst lr;
	_ =	strace $0xD0000000  }
0x3: {  	_ = 	snop  }
0x4: {  	_ = 	snop  }
0x5: {  	_ = 	snop  }
0x6: {  	_ = 	snop  }
0x7: {  	_ = 	snop  }
__scs_overlays_trampoline_lowered:
0x8: {  	[smem:$0x3FAE] =	sst s0  }
0x9: {  	[smem:$0x3FAF] =	sst s1  }
0xa: {  	[smem:$0x3FB0] =	sst s2  }
0xb: {  	[smem:$0x3FB1] =	sst s3  }
0xc: {  	[smem:$0x3FB2] =	sst s4  }
0xd: {  	[smem:$0x3FB3] =	sst s5  }
0xe: {  	[smem:$0x3FB4] =	sst s6  }
0xf: {  	[smem:$0x3FB5] =	sst s7  }
0x10: {  	[smem:$0x3FB6] =	sst s8  }
0x11: {  	[smem:$0x3FB7] =	sst s9;
	s0 =	simm.s32 @!p0 $0x0  }
0x12: {  	s1 =	sld [smem:$0x3F9D];
	s0 =	simm.s32 @p0 $0x1  }
0x13: {  	[smem:$0x3FB8] =	sst s0;
	s0 =	simm.s32 @!p1 $0x0  }
0x14: {  	s2 =	sld [smem:$0x3F9C];
	s0 =	simm.s32 @p1 $0x1  }
0x15: {  	[smem:$0x3FB9] =	sst s0;
	s0 =	simm.s32 @!p2 $0x0  }
0x16: {  	s3 =	sld [smem:$0x3FDB];
	s0 =	simm.s32 @p2 $0x1  }
0x17: {  	s4 =	simm.s32 $0x1BF5;
	[smem:$0x3FBB] =	sst s0  }
0x18: {  	s0 =	sld [smem:$0x3F9E];
	_ =	swait.ge [sflag:s4], $0x0  }
0x19: {  	s7 =	sld [smem:$0x3F9F]  }
0x1a: {  	s8 =	sadd.s32 $0xFFFFE003, lr  }
0x1b: {  	s9 =	sadd.s32 $0xFFFFFEF7, lr;
	s5 =	simm.s32 $0xFFFFFFFF;
	p2 =	slt.u32 s8, $0xFFFFF086  }
0x1c: {  	p1 =	slt.u32 s9, $0xF7A;
	s5 =	simm.s32 @!p2 $0x0  }
0x1d: {  	s5 =	simm.s32 @p1 $0x1;
	p0 =	seq.s32 s7, s2  }
0x1e: {  	s7 =	smul.u32 @!p0 $0xF7A, s2;
	p2 =	seq.s32 @!p0 s5, $0x0  }
0x1f: {  	s9 =	smul.u32 $0xF7A, s1;
	s8 =	simm.s32 @!p0 $0x1BF5;
	p2 =	por !p2, p0  }
0x20: {  	[sflag:s8] =	ssyncset.s32 @!p0 $0xFFFFF086;
	s6 =	sadd.s32 @!p0 s3, s7;
	s7 =	simm.s32 @!p0 $0x108  }
0x21: {  	s3 =	sadd.s32 s3, s9;
	s6 =	sadd.s32 @!p0 $0x88, s6;
	s7 =	simm.s32 @p2 $0x1082  }
0x22: {  	[simem:s7], [sflag:s8] =	dma.local @!p0 [hbm:s6], $0xF7A  }
0x23: {  	s9 =	sor.u32 $0xD0000000, s2;
	s6 =	simm.s32 $0x108;
	_ =	swait.ge @!p0 [sflag:s8], $0x0  }
0x24: {  	s3 =	sadd.s32 $0x88, s3;
	s6 =	simm.s32 @!p1 $0x1082;
	[sflag:s4] =	ssyncset.s32 $0xFFFFF086  }
0x25: {  	[simem:s6], [sflag:s4] =	dma.local [hbm:s3], $0xF7A  }
0x26: {  	[smem:$0x3F9F] =	sst s1;
	(tag) =	ssettag s2;
	_ =	strace s9  }
0x27: {  	s1 =	sld [smem:$0x3FAF]  }
0x28: {  	s2 =	sld [smem:$0x3FB0]  }
0x29: {  	s4 =	sld [smem:$0x3FB2]  }
0x2a: {  	p0 =	seq.s32 s5, $0x0;
	s5 =	sld [smem:$0x3FB3]  }
0x2b: {  	s6 =	sld [smem:$0x3FB4]  }
0x2c: {  	s7 =	sld [smem:$0x3FB5]  }
0x2d: {  	s3 =	simm.s32 $0x108;
	s8 =	sld [smem:$0x3FB6]  }
0x2e: {  	s3 =	simm.s32 @!p0 $0x1082;
	s9 =	sld [smem:$0x3FB7]  }
0x2f: {  	lr =	sadd.s32 s0, s3;
	s0 =	sld [smem:$0x3FAE]  }
0x30: {  	s3 =	sld [smem:$0x3FB1]  }
0x31: {  	[smem:$0x3FBA] =	sst s10  }
0x32: {  	s10 =	sld [smem:$0x3FB8];
	_ =	sdelay $0x3  }
0x33: {  	p0 =	seq.s32 s10, $0x1;
	s10 =	sld [smem:$0x3FBA];
	_ =	sdelay $0x3  }
0x34: {  	[smem:$0x3FBA] =	sst s10  }
0x35: {  	s10 =	sld [smem:$0x3FB9];
	_ =	sdelay $0x3  }
0x36: {  	p1 =	seq.s32 s10, $0x1;
	s10 =	sld [smem:$0x3FBA];
	_ =	sdelay $0x3  }
0x37: {  	[smem:$0x3FBA] =	sst s10  }
0x38: {  	s10 =	sld [smem:$0x3FBB]  }
0x39: {  	_ = 	snop;
	(pc) =	sbr.ind lr, $3  }
0x3a: {  	_ = 	snop  }
0x3b: {  	_ = 	snop  }
0x3c: {  	p2 =	seq.s32 s10, $0x1;
	s10 =	sld [smem:$0x3FBA]  }
0x3d: {  	_ =	shalt  }
0x3e: {  	_ =	shalt  }
0x3f: {  	_ =	shalt  }
0x40: {  	_ =	shalt  }
0x41: {  	_ =	shalt  }
0x42: {  	_ =	shalt  }
0x43: {  	_ =	shalt  }
0x44: {  	_ =	shalt  }
0x45: {  	_ =	shalt  }
0x46: {  	_ =	shalt  }
0x47: {  	_ =	shalt  }
0x48: {  	_ =	shalt  }
0x49: {  	_ =	shalt  }
0x4a: {  	_ =	shalt  }
0x4b: {  	_ =	shalt  }
0x4c: {  	_ =	shalt  }
0x4d: {  	_ =	shalt  }
0x4e: {  	_ =	shalt  }
0x4f: {  	_ =	shalt  }
0x50: {  	_ =	shalt  }
0x51: {  	_ =	shalt  }
0x52: {  	_ =	shalt  }
0x53: {  	_ =	shalt  }
0x54: {  	_ =	shalt  }
0x55: {  	_ =	shalt  }
0x56: {  	_ =	shalt  }
0x57: {  	_ =	shalt  }
0x58: {  	_ =	shalt  }
0x59: {  	_ =	shalt  }
0x5a: {  	_ =	shalt  }
0x5b: {  	_ =	shalt  }
0x5c: {  	_ =	shalt  }
0x5d: {  	_ =	shalt  }
0x5e: {  	_ =	shalt  }
0x5f: {  	_ =	shalt  }
0x60: {  	_ =	shalt  }
0x61: {  	_ =	shalt  }
0x62: {  	_ =	shalt  }
0x63: {  	_ =	shalt  }
0x64: {  	_ =	shalt  }
0x65: {  	_ =	shalt  }
0x66: {  	_ =	shalt  }
0x67: {  	_ =	shalt  }
0x68: {  	_ =	shalt  }
0x69: {  	_ =	shalt  }
0x6a: {  	_ =	shalt  }
0x6b: {  	_ =	shalt  }
0x6c: {  	_ =	shalt  }
0x6d: {  	_ =	shalt  }
0x6e: {  	_ =	shalt  }
0x6f: {  	_ =	shalt  }
0x70: {  	_ =	shalt  }
0x71: {  	_ =	shalt  }
0x72: {  	_ =	shalt  }
0x73: {  	_ =	shalt  }
0x74: {  	_ =	shalt  }
0x75: {  	_ =	shalt  }
0x76: {  	_ =	shalt  }
0x77: {  	_ =	shalt  }
0x78: {  	_ =	shalt  }
0x79: {  	_ =	shalt  }
0x7a: {  	_ =	shalt  }
0x7b: {  	_ =	shalt  }
0x7c: {  	_ =	shalt  }
0x7d: {  	_ =	shalt  }
0x7e: {  	_ =	shalt  }
0x7f: {  	_ =	shalt  }
0x80: {  	_ =	shalt  }
0x81: {  	_ =	shalt  }
0x82: {  	_ =	shalt  }
0x83: {  	_ =	shalt  }
0x84: {  	_ =	shalt  }
0x85: {  	_ =	shalt  }
0x86: {  	_ =	shalt  }
0x87: {  	_ =	shalt  }
.Lfunc_end0:
.L_simem_size_0:
called_computation.1_lowered:
.L_overlay_start_0:
0x88: {  	s2 =	sld [smem:$0x3FD9]  }
0x89: {  	s3 =	sld [smem:$0x3FFE];
	_ =	sdelay $0x1  }
0x8a: {  	s1 =	srdreg.scid  }
0x8b: {  	s0 =	sand.u32 $0x1, s1  }
0x8c: {  	s17 =	sshll.u32 s0, $0xA;
	s2 =	sadd.s32 s3, s2  }
0x8d: {  	s2 =	sadd.s32 s2, s17  }
0x8e: {  	[smem:$0x3FC6] =	sst s2  }
0x8f: {  	_ = 	snop  }
0x90: {  	s2 =	sld [smem:$0x3FC9]  }
0x91: {  	s18 =	sld [smem:$0x3FD0];
	(tm) =	ssettm $0x1  }
0x92: {  	s4 =	sld [smem:$0x3FFB];
	_ =	sdelay $0x3  }
0x93: {  	_ =	strace s4  }
0x94: {  	s4 =	sld [smem:$0x3FFC];
	_ =	sdelay $0x3  }
0x95: {  	_ =	strace s4  }
0x96: {  	s4 =	sld [smem:$0x3FFD];
	_ =	sdelay $0x3  }
0x97: {  	_ =	strace s4  }
0x98: {  	_ =	strace $0x8FFFFFFF  }
0x99: {  	s19 =	sld [smem:$0x3FDB];
	_ =	sdelay $0x1  }
0x9a: {  	s5 =	simm.s32 $_scs_section_size  }
0x9b: {  	s6 =	simm.s32 $_size__tile_overlayer_lowered;
	s7 =	simm.s32 $_tile_overlayer_lowered  }
0x9c: {  	s22 =	simm.s32 $0x1BFF;
	s21 =	sshll.u32 s7, $0x1;
	s4 =	sadd.s32 s5, s19  }
0x9d: {  	s8 =	simm.s32 $0x0;
	s20 =	sshll.u32 s6, $0x1;
	s6 =	sadd.s32 s21, s4  }
0x9e: {  	[timem:s8], [sflag:s22] =	dma.local [hbm:s6], s20  }
0x9f: {  	_ =	swait.ge [sflag:s22], s20  }
0xa0: {  	s5 =	ssub.s32 $0x0, s20;
	[sflag:s22] =	ssyncset.done $0x0  }
0xa1: {  	[sflag:s22] =	ssyncadd.s32 s5;
	_ =	sdelay $0x1  }
0xa2: {  	s23 =	simm.s32 $0x1B8B  }
0xa3: {  	_ =	swait.ge [sflag:s23], $0x1  }
0xa4: {  	[sflag:s23] =	ssyncset.done $0x0  }
0xa5: {  	s25 =	simm.s32 $0x1B8E;
	s24 =	sld [smem:$0x3FFE];
	[sflag:s23] =	ssyncadd.s32 $0xFFFFFFFF  }
0xa6: {  	s26 =	simm.s32 $execute0_lowered;
	[smem:$0x3FD2] =	sst s25  }
0xa7: {  	s6 =	sshll.u32 s26, $0x1;
	_ =	strace $0x80000046;
	[dreg:$0x1] =	wrdreg $0xFFFFFFFF  }
0xa8: {  	s28 =	simm.s32 $_size_execute0_lowered;
	s4 =	sadd.s32 s4, s6;
	[dreg:$0x0] =	wrdreg $0x0  }
0xa9: {  	s6 =	sshll.u32 s28, $0x1;
	[dreg:$0x2] =	wrdreg s4  }
0xaa: {  	[dreg:$0x3] =	wrdreg s6  }
0xab: {  	[dreg:$0x4] =	wrdreg $0xC0  }
0xac: {  	_ =	task [dreg:s8], $0x5FFFF  }
0xad: {  	[dreg:$0x1] =	wrdreg $0xFFFFFFFF  }
0xae: {  	[dreg:$0x0] =	wrdreg $0x60  }
0xaf: {  	[dreg:$0x2] =	wrdreg s2  }
0xb0: {  	[dreg:$0x3] =	wrdreg s24  }
0xb1: {  	[dreg:$0x4] =	wrdreg s18  }
0xb2: {  	[dreg:$0x5] =	wrdreg $0x9  }
0xb3: {  	_ =	task.clear_ibuf [dreg:s8], $0x6FFFF;
	_ =	strace $0x90000046  }
0xb4: {  	s29 =	simm.s32 $0x9;
	_ =	strace $0x80000048  }
0xb5: {  	_ =	swait.ge [sflag:s29], $0x1  }
0xb6: {  	[sflag:s29] =	ssyncadd.s32 $0xFFFFFFFF  }
0xb7: {  	_ =	strace $0x90000048  }
0xb8: {  	_ =	sfence  }
0xb9: {  	s30 =	sld [smem:$0x0];
	_ =	sdelay $0x2  }
0xba: {  	s31 =	sshll.u32 s1, $0xD;
	s1 =	sshrl.u32 s1, $0x2  }
0xbb: {  	s3 =	sand.u32 $0x4000, s31;
	s1 =	sadd.s32 s1, s30  }
0xbc: {  	s0 =	sor.u32 s3, s0;
	s1 =	sshll.u32 s1, $0x11  }
0xbd: {  	s0 =	sor.u32 s1, s0  }
0xbe: {  	s0 =	sadd.s32 $0x8F2B, s0  }
0xbf: {  	[sflag:s0] =	ssyncadd.remote.s32 $0x1  }
0xc0: {  	_ =	sfence.sel $0xFFFF  }
0xc1: {  	[dreg:$0x0] =	wrdreg $0xFFFFFFFF;
	(pc) =	sbr.abs _section_cstart, $3  }
0xc2: {  	[dreg:$0x1] =	wrdreg $0xFFFFFFFF  }
0xc3: {  	_ =	task.clear_ibuf [dreg:s8], $0x2FFFF;
	_ =	strace $0x9FFFFFFF  }
0xc4: {  	(tm) =	ssettm $0x7FFFFFFF  }
0xc5: {  	_ =	shalt  }
tec
execute0_lowered:
.L_overlay_start_1:
0x0: {  	(tag) =	ssettag $0x1  }
0x1: {  	s0 =	rddreg [dreg:$0x0]  }
0x2: {  	s1 =	rddreg [dreg:$0x1]  }
0x3: {  	s4 =	rddreg [dreg:$0x2];
	s2 =	simm.s32 $0x0  }
0x4: {  	s3 =	srdreg.scid;
	s6 =	stileid.u32;
	s11 =	simm.s32 $0x80  }
0x5: {  	s14 =	simm.s32 $0xC400;
	s29 =	simm.s32 $0x1;
	s28 =	simm.s32 $0x16400  }
0x6: {  	s30 =	simm.s32 $0x17400;
	s12 =	simm.s32 $0x18400;
	[smem:$0x7FF] =	sst s2  }
0x7: {  	s5 =	sand.u32 $0x1, s3;
	s15 =	sshll.u32 s6, $0x1;
	s6 =	smul.u32 $0xC800, s6  }
0x8: {  	s3 =	sadd.s32 $0xF42C00, s1;
	s7 =	sor.u32 s5, s15;
	s8 =	smul.u32 $0x6400, s5  }
0x9: {  	s31 =	simm.s32 $0x0;
	_ =	strace $0x80000047;
	s17 =	smul.u32 $0xC80, s7  }
0xa: {  	s16 =	ssub.s32 $0x2, s5;
	s15 =	simm.s32 $0x7400;
	s10 =	smul.u32 $0xC8000, s7  }
0xb: {  	s5 =	simm.s32 $0x2;
	s9 =	sshrl.u32 s16, $0x1;
	s7 =	smul.u32 $0x19000, s7  }
0xc: {  	s6 =	sadd.s32 s8, s6;
	s1 =	ssub.s32 s16, s9;
	s16 =	simm.s32 $0x14400  }
0xd: {  	s8 =	simm.s32 $0x7;
	s9 =	simm.s32 $0x4;
	s6 =	sshll.u32 s6, $0x2  }
0xe: {  	s0 =	sadd.s32 s0, s17;
	s18 =	sshrl.u32 s10, $0x3;
	s20 =	sadd.s32 s4, s7  }
0xf: {  	s1 =	smax.u32 s1, $0x1;
	s17 =	simm.s32 $0x8400;
	[dreg:$0x8] =	wrdreg s0  }
0x10: {  	s7 =	simm.s32 $0x3;
	[dreg:$0x9] =	wrdreg s20;
	s0 =	sadd.s32 s4, s18  }
0x11: {  	s19 =	sadd.s32 s4, s6;
	[dreg:$0xd] =	wrdreg s1;
	s22 =	sadd.s32 $0x17200, s0  }
0x12: {  	s10 =	simm.s32 $0x8;
	s21 =	sadd.s32 $0x1E00, s19;
	[dreg:$0xa] =	wrdreg s22  }
0x13: {  	s18 =	simm.s32 $0xD400;
	s24 =	sadd.s32 $0x17C00, s0;
	[dreg:$0x4] =	wrdreg s21  }
0x14: {  	s20 =	simm.s32 $0x11400;
	s23 =	sadd.s32 $0x1400, s19;
	[dreg:$0xb] =	wrdreg s24  }
0x15: {  	s1 =	simm.s32 $0x15400;
	s0 =	sadd.s32 $0x18600, s0;
	[dreg:$0x5] =	wrdreg s23  }
0x16: {  	s4 =	simm.s32 $0x5;
	s25 =	sadd.s32 $0xA00, s19;
	[dreg:$0xc] =	wrdreg s0  }
0x17: {  	s6 =	simm.s32 $0x6;
	s26 =	sadd.s32 $0x2800, s19;
	[dreg:$0x6] =	wrdreg s25  }
0x18: {  	s19 =	simm.s32 $0x9400;
	[dreg:$0x7] =	wrdreg s26;
	s23 =	simm.s32 $0xA400  }
0x19: {  	s21 =	simm.s32 $0xB400;
	s22 =	simm.s32 $0xE400;
	s25 =	simm.s32 $0xF400  }
0x1a: {  	s0 =	simm.s32 $0x10400;
	s26 =	simm.s32 $0x12400;
	s24 =	simm.s32 $0x13400  }
.LBB2_1:
0x1b: {  	s13 =	rddreg [dreg:$0x8]  }
0x1c: {  	[tilespmem:s2], [sflag:$0x9] =	stream.linear.gather [hbm4b:s13+s2], $0x6400, $0x38;
	[tilespmem:$0x1A400] =	vst v63  }
0x1d: {  	[dreg:$0xe] =	wrdreg s31;
	s13 =	simm.s32 $0x9  }
0x1e: {  	_ =	swait.ge [sflag:s13], $0x6400  }
0x1f: {  	[sflag:s13] =	ssyncset.done $0x0  }
0x20: {  	s31 =	simm.s32 $0x6400;
	[sflag:s13] =	ssyncadd.s32 $0xFFFF9C00  }
0x21: {  	[tilespmem:s31], [sflag:$0x1] =	stream.indirect.gather [hbm4b:s3+s11], $0x20, s2, s11, $0xb8;
	[tilespmem:$0x1A400] =	vst v63  }
0x22: {  	_ = 	snop  }
0x23: {  	[tilespmem:s15], [sflag:$0x1] =	stream.indirect.gather [hbm4b:s3+s11], $0x20, s11, s11, $0xb8;
	[tilespmem:$0x1A400] =	vst v63  }
0x24: {  	s13 =	simm.s32 $0x100  }
0x25: {  	[tilespmem:s17], [sflag:$0x1] =	stream.indirect.gather [hbm4b:s3+s11], $0x20, s13, s11, $0xb8;
	[tilespmem:$0x1A400] =	vst v63  }
0x26: {  	s13 =	simm.s32 $0x180  }
0x27: {  	[tilespmem:s19], [sflag:$0x1] =	stream.indirect.gather [hbm4b:s3+s11], $0x20, s13, s11, $0xb8;
	[tilespmem:$0x1A400] =	vst v63  }
0x28: {  	s13 =	simm.s32 $0x200  }
0x29: {  	[tilespmem:s23], [sflag:$0x1] =	stream.indirect.gather [hbm4b:s3+s11], $0x20, s13, s11, $0xb8;
	[tilespmem:$0x1A400] =	vst v63  }
0x2a: {  	s13 =	simm.s32 $0x280  }
0x2b: {  	[tilespmem:s21], [sflag:$0x2] =	stream.indirect.gather [hbm4b:s3+s11], $0x20, s13, s11, $0xb8;
	[tilespmem:$0x1A400] =	vst v63  }
0x2c: {  	s13 =	simm.s32 $0x300  }
0x2d: {  	[tilespmem:s14], [sflag:$0x2] =	stream.indirect.gather [hbm4b:s3+s11], $0x20, s13, s11, $0xb8;
	[tilespmem:$0x1A400] =	vst v63  }
0x2e: {  	s13 =	simm.s32 $0x380  }
0x2f: {  	[tilespmem:s18], [sflag:$0x2] =	stream.indirect.gather [hbm4b:s3+s11], $0x20, s13, s11, $0xb8;
	[tilespmem:$0x1A400] =	vst v63  }
0x30: {  	s13 =	simm.s32 $0x400  }
0x31: {  	[tilespmem:s22], [sflag:$0x2] =	stream.indirect.gather [hbm4b:s3+s11], $0x20, s13, s11, $0xb8;
	[tilespmem:$0x1A400] =	vst v63  }
0x32: {  	s13 =	simm.s32 $0x480  }
0x33: {  	[tilespmem:s25], [sflag:$0x2] =	stream.indirect.gather [hbm4b:s3+s11], $0x20, s13, s11, $0xb8;
	[tilespmem:$0x1A400] =	vst v63  }
0x34: {  	s13 =	simm.s32 $0x500  }
0x35: {  	[tilespmem:s0], [sflag:$0x3] =	stream.indirect.gather [hbm4b:s3+s11], $0x20, s13, s11, $0xb8;
	[tilespmem:$0x1A400] =	vst v63  }
0x36: {  	s13 =	simm.s32 $0x580  }
0x37: {  	[tilespmem:s20], [sflag:$0x3] =	stream.indirect.gather [hbm4b:s3+s11], $0x20, s13, s11, $0xb8;
	[tilespmem:$0x1A400] =	vst v63  }
0x38: {  	s13 =	simm.s32 $0x600  }
0x39: {  	[tilespmem:s26], [sflag:$0x3] =	stream.indirect.gather [hbm4b:s3+s11], $0x20, s13, s11, $0xb8;
	[tilespmem:$0x1A400] =	vst v63  }
0x3a: {  	s13 =	simm.s32 $0x680  }
0x3b: {  	[tilespmem:s24], [sflag:$0x3] =	stream.indirect.gather [hbm4b:s3+s11], $0x20, s13, s11, $0xb8;
	[tilespmem:$0x1A400] =	vst v63  }
0x3c: {  	s13 =	simm.s32 $0x700  }
0x3d: {  	[tilespmem:s16], [sflag:$0x3] =	stream.indirect.gather [hbm4b:s3+s11], $0x20, s13, s11, $0xb8;
	[tilespmem:$0x1A400] =	vst v63  }
0x3e: {  	_ =	swait.ge [sflag:s29], $0x5000  }
0x3f: {  	[sflag:s29] =	ssyncset.done $0x0  }
0x40: {  	s13 =	rddreg [dreg:$0x9];
	[sflag:s29] =	ssyncadd.s32 $0xFFFFB000  }
0x41: {  	[hbm4b:s13+s2] =	stream.linear.scatter [tilespmem:s31], [sflag:$0x5], $0x5000, $0x38;
	[tilespmem:$0x1A400] =	vst v63  }
0x42: {  	s13 =	simm.s32 $0x780  }
0x43: {  	[tilespmem:s1], [sflag:$0x4] =	stream.indirect.gather [hbm4b:s3+s11], $0x20, s13, s11, $0xb8;
	[tilespmem:$0x1A400] =	vst v63  }
0x44: {  	s13 =	simm.s32 $0x800  }
0x45: {  	[tilespmem:s28], [sflag:$0x4] =	stream.indirect.gather [hbm4b:s3+s11], $0x20, s13, s11, $0xb8;
	[tilespmem:$0x1A400] =	vst v63  }
0x46: {  	s13 =	simm.s32 $0x880  }
0x47: {  	[tilespmem:s30], [sflag:$0x4] =	stream.indirect.gather [hbm4b:s3+s11], $0x20, s13, s11, $0xb8;
	[tilespmem:$0x1A400] =	vst v63  }
0x48: {  	s13 =	simm.s32 $0x900  }
0x49: {  	[tilespmem:s12], [sflag:$0x4] =	stream.indirect.gather [hbm4b:s3+s11], $0x20, s13, s11, $0xb8;
	[tilespmem:$0x1A400] =	vst v63  }
0x4a: {  	s12 =	simm.s32 $0x19400;
	s13 =	simm.s32 $0x980  }
0x4b: {  	[tilespmem:s12], [sflag:$0x4] =	stream.indirect.gather [hbm4b:s3+s11], $0x20, s13, s11, $0xb8;
	[tilespmem:$0x1A400] =	vst v63  }
0x4c: {  	_ =	swait.ge [sflag:s4], $0x5000  }
0x4d: {  	[sflag:s4] =	ssyncset.done $0x0  }
0x4e: {  	s13 =	simm.s32 $0xA00;
	[sflag:s4] =	ssyncadd.s32 $0xFFFFB000  }
0x4f: {  	[tilespmem:s31], [sflag:$0x1] =	stream.indirect.gather [hbm4b:s3+s11], $0x20, s13, s11, $0xb8;
	[tilespmem:$0x1A400] =	vst v63  }
0x50: {  	s13 =	simm.s32 $0xA80  }
0x51: {  	[tilespmem:s15], [sflag:$0x1] =	stream.indirect.gather [hbm4b:s3+s11], $0x20, s13, s11, $0xb8;
	[tilespmem:$0x1A400] =	vst v63  }
0x52: {  	s15 =	simm.s32 $0xB00  }
0x53: {  	[tilespmem:s17], [sflag:$0x1] =	stream.indirect.gather [hbm4b:s3+s11], $0x20, s15, s11, $0xb8;
	[tilespmem:$0x1A400] =	vst v63  }
0x54: {  	s15 =	simm.s32 $0xB80  }
0x55: {  	[tilespmem:s19], [sflag:$0x1] =	stream.indirect.gather [hbm4b:s3+s11], $0x20, s15, s11, $0xb8;
	[tilespmem:$0x1A400] =	vst v63  }
0x56: {  	s17 =	simm.s32 $0xC00  }
0x57: {  	[tilespmem:s23], [sflag:$0x1] =	stream.indirect.gather [hbm4b:s3+s11], $0x20, s17, s11, $0xb8;
	[tilespmem:$0x1A400] =	vst v63  }
0x58: {  	_ =	swait.ge [sflag:s5], $0x5000  }
0x59: {  	s19 =	rddreg [dreg:$0x6];
	[sflag:s5] =	ssyncset.done $0x0  }
0x5a: {  	[sflag:s5] =	ssyncadd.s32 $0xFFFFB000;
	s13 =	sadd.s32 $0x0, s19  }
0x5b: {  	[hbm4b:s13+s2] =	stream.linear.scatter [tilespmem:s21], [sflag:$0x6], $0x5000, $0x38;
	[tilespmem:$0x1A400] =	vst v63  }
0x5c: {  	_ =	swait.ge [sflag:s6], $0x5000  }
0x5d: {  	[sflag:s6] =	ssyncset.done $0x0  }
0x5e: {  	s23 =	simm.s32 $0xC80;
	[sflag:s6] =	ssyncadd.s32 $0xFFFFB000  }
0x5f: {  	[tilespmem:s21], [sflag:$0x2] =	stream.indirect.gather [hbm4b:s3+s11], $0x20, s23, s11, $0xb8;
	[tilespmem:$0x1A400] =	vst v63  }
0x60: {  	s15 =	simm.s32 $0xD00  }
0x61: {  	[tilespmem:s14], [sflag:$0x2] =	stream.indirect.gather [hbm4b:s3+s11], $0x20, s15, s11, $0xb8;
	[tilespmem:$0x1A400] =	vst v63  }
0x62: {  	s17 =	simm.s32 $0xD80  }
0x63: {  	[tilespmem:s18], [sflag:$0x2] =	stream.indirect.gather [hbm4b:s3+s11], $0x20, s17, s11, $0xb8;
	[tilespmem:$0x1A400] =	vst v63  }
0x64: {  	s18 =	simm.s32 $0xE00  }
0x65: {  	[tilespmem:s22], [sflag:$0x2] =	stream.indirect.gather [hbm4b:s3+s11], $0x20, s18, s11, $0xb8;
	[tilespmem:$0x1A400] =	vst v63  }
0x66: {  	s19 =	simm.s32 $0xE80  }
0x67: {  	[tilespmem:s25], [sflag:$0x2] =	stream.indirect.gather [hbm4b:s3+s11], $0x20, s19, s11, $0xb8;
	[tilespmem:$0x1A400] =	vst v63  }
0x68: {  	_ =	swait.ge [sflag:s7], $0x5000  }
0x69: {  	s22 =	rddreg [dreg:$0x5];
	[sflag:s7] =	ssyncset.done $0x0  }
0x6a: {  	[sflag:s7] =	ssyncadd.s32 $0xFFFFB000;
	s13 =	sadd.s32 $0x0, s22  }
0x6b: {  	[hbm4b:s13+s2] =	stream.linear.scatter [tilespmem:s0], [sflag:$0x7], $0x5000, $0x38;
	[tilespmem:$0x1A400] =	vst v63  }
0x6c: {  	_ =	swait.ge [sflag:s8], $0x5000  }
0x6d: {  	[sflag:s8] =	ssyncset.done $0x0  }
0x6e: {  	s23 =	simm.s32 $0xF00;
	[sflag:s8] =	ssyncadd.s32 $0xFFFFB000  }
0x6f: {  	[tilespmem:s0], [sflag:$0x3] =	stream.indirect.gather [hbm4b:s3+s11], $0x20, s23, s11, $0xb8;
	[tilespmem:$0x1A400] =	vst v63  }
0x70: {  	s25 =	simm.s32 $0xF80  }
0x71: {  	[tilespmem:s20], [sflag:$0x3] =	stream.indirect.gather [hbm4b:s3+s11], $0x20, s25, s11, $0xb8;
	[tilespmem:$0x1A400] =	vst v63  }
0x72: {  	s14 =	simm.s32 $0x1000  }
0x73: {  	[tilespmem:s26], [sflag:$0x3] =	stream.indirect.gather [hbm4b:s3+s11], $0x20, s14, s11, $0xb8;
	[tilespmem:$0x1A400] =	vst v63  }
0x74: {  	s15 =	simm.s32 $0x1080  }
0x75: {  	[tilespmem:s24], [sflag:$0x3] =	stream.indirect.gather [hbm4b:s3+s11], $0x20, s15, s11, $0xb8;
	[tilespmem:$0x1A400] =	vst v63  }
0x76: {  	s17 =	simm.s32 $0x1100  }
0x77: {  	[tilespmem:s16], [sflag:$0x3] =	stream.indirect.gather [hbm4b:s3+s11], $0x20, s17, s11, $0xb8;
	[tilespmem:$0x1A400] =	vst v63  }
0x78: {  	_ =	swait.ge [sflag:s9], $0x5000  }
0x79: {  	s18 =	rddreg [dreg:$0x4];
	[sflag:s9] =	ssyncset.done $0x0  }
0x7a: {  	[sflag:s9] =	ssyncadd.s32 $0xFFFFB000;
	s13 =	sadd.s32 $0x0, s18  }
0x7b: {  	[hbm4b:s13+s2] =	stream.linear.scatter [tilespmem:s1], [sflag:$0x8], $0x5000, $0x38;
	[tilespmem:$0x1A400] =	vst v63  }
0x7c: {  	_ =	swait.ge [sflag:s10], $0x5000  }
0x7d: {  	s12 =	simm.s32 $0x19400;
	[sflag:s10] =	ssyncset.done $0x0  }
0x7e: {  	s31 =	simm.s32 $0x12400;
	s19 =	simm.s32 $0x1180;
	[sflag:s10] =	ssyncadd.s32 $0xFFFFB000  }
0x7f: {  	[tilespmem:s1], [sflag:$0x4] =	stream.indirect.gather [hbm4b:s3+s11], $0x20, s19, s11, $0xb8;
	[tilespmem:$0x1A400] =	vst v63  }
0x80: {  	s22 =	simm.s32 $0x1280;
	s23 =	simm.s32 $0x1300;
	s20 =	simm.s32 $0x1200  }
0x81: {  	[tilespmem:s28], [sflag:$0x4] =	stream.indirect.gather [hbm4b:s3+s11], $0x20, s20, s11, $0xb8;
	[tilespmem:$0x1A400] =	vst v63  }
0x82: {  	s25 =	simm.s32 $0x1380;
	s24 =	simm.s32 $0x18400;
	s16 =	simm.s32 $0x14400  }
0x83: {  	[tilespmem:s30], [sflag:$0x4] =	stream.indirect.gather [hbm4b:s3+s11], $0x20, s22, s11, $0xb8;
	[tilespmem:$0x1A400] =	vst v63  }
0x84: {  	s18 =	simm.s32 $0xD400;
	s13 =	simm.s32 $0x2800;
	s20 =	simm.s32 $0x11400  }
0x85: {  	[tilespmem:s24], [sflag:$0x4] =	stream.indirect.gather [hbm4b:s3+s11], $0x20, s23, s11, $0xb8;
	[tilespmem:$0x1A400] =	vst v63  }
0x86: {  	s28 =	simm.s32 $0x9400;
	s22 =	simm.s32 $0xE400;
	s30 =	simm.s32 $0x16400  }
0x87: {  	[tilespmem:s12], [sflag:$0x4] =	stream.indirect.gather [hbm4b:s3+s11], $0x20, s25, s11, $0xb8;
	[tilespmem:$0x1A400] =	vst v63  }
0x88: {  	s24 =	simm.s32 $0x13400;
	s23 =	simm.s32 $0x17400;
	_ =	swait.ge [sflag:s29], $0x5000  }
0x89: {  	s12 =	simm.s32 $0x18400;
	s26 =	rddreg [dreg:$0x7];
	[sflag:s29] =	ssyncset.done $0x0  }
0x8a: {  	[sflag:s29] =	ssyncadd.s32 $0xFFFFB000;
	s15 =	sadd.s32 $0x0, s26;
	s26 =	simm.s32 $0xF400  }
.LBB2_2:
0x8b: {  	s25 =	simm.s32 $0x6400  }
0x8c: {  	[hbm4b:s15+s2] =	stream.linear.scatter [tilespmem:s25], [sflag:$0x5], $0x5000, $0x38;
	[tilespmem:$0x1A400] =	vst v63  }
0x8d: {  	s15 =	smov.u32 s13;
	_ =	swait.ge [sflag:s4], $0x5000  }
0x8e: {  	s17 =	sshra.s32 s15, $0x2;
	[sflag:s4] =	ssyncset.done $0x0  }
0x8f: {  	s19 =	sadd.s32 $0xA00, s17;
	[sflag:s4] =	ssyncadd.s32 $0xFFFFB000  }
0x90: {  	[tilespmem:s25], [sflag:$0x1] =	stream.indirect.gather [hbm4b:s3+s11], $0x20, s19, s11, $0xb8;
	[tilespmem:$0x1A400] =	vst v63  }
0x91: {  	s19 =	sadd.s32 $0xA80, s17;
	s25 =	simm.s32 $0x7400  }
0x92: {  	[tilespmem:s25], [sflag:$0x1] =	stream.indirect.gather [hbm4b:s3+s11], $0x20, s19, s11, $0xb8;
	[tilespmem:$0x1A400] =	vst v63  }
0x93: {  	s19 =	sadd.s32 $0xB00, s17;
	s25 =	simm.s32 $0x8400  }
0x94: {  	[tilespmem:s25], [sflag:$0x1] =	stream.indirect.gather [hbm4b:s3+s11], $0x20, s19, s11, $0xb8;
	[tilespmem:$0x1A400] =	vst v63  }
0x95: {  	s25 =	sadd.s32 $0xB80, s17  }
0x96: {  	[tilespmem:s28], [sflag:$0x1] =	stream.indirect.gather [hbm4b:s3+s11], $0x20, s25, s11, $0xb8;
	[tilespmem:$0x1A400] =	vst v63  }
0x97: {  	s19 =	sadd.s32 $0xC00, s17;
	s25 =	simm.s32 $0xA400  }
0x98: {  	[tilespmem:s25], [sflag:$0x1] =	stream.indirect.gather [hbm4b:s3+s11], $0x20, s19, s11, $0xb8;
	[tilespmem:$0x1A400] =	vst v63  }
0x99: {  	_ =	swait.ge [sflag:s5], $0x5000  }
0x9a: {  	s25 =	rddreg [dreg:$0x6];
	[sflag:s5] =	ssyncset.done $0x0  }
0x9b: {  	[sflag:s5] =	ssyncadd.s32 $0xFFFFB000;
	s19 =	sadd.s32 s15, s25  }
0x9c: {  	[hbm4b:s19+s2] =	stream.linear.scatter [tilespmem:s21], [sflag:$0x6], $0x5000, $0x38;
	[tilespmem:$0x1A400] =	vst v63  }
0x9d: {  	_ =	swait.ge [sflag:s6], $0x5000  }
0x9e: {  	[sflag:s6] =	ssyncset.done $0x0  }
0x9f: {  	s25 =	sadd.s32 $0xC80, s17;
	[sflag:s6] =	ssyncadd.s32 $0xFFFFB000  }
0xa0: {  	[tilespmem:s21], [sflag:$0x2] =	stream.indirect.gather [hbm4b:s3+s11], $0x20, s25, s11, $0xb8;
	[tilespmem:$0x1A400] =	vst v63  }
0xa1: {  	s19 =	sadd.s32 $0xD00, s17;
	s25 =	simm.s32 $0xC400  }
0xa2: {  	[tilespmem:s25], [sflag:$0x2] =	stream.indirect.gather [hbm4b:s3+s11], $0x20, s19, s11, $0xb8;
	[tilespmem:$0x1A400] =	vst v63  }
0xa3: {  	s25 =	sadd.s32 $0xD80, s17  }
0xa4: {  	[tilespmem:s18], [sflag:$0x2] =	stream.indirect.gather [hbm4b:s3+s11], $0x20, s25, s11, $0xb8;
	[tilespmem:$0x1A400] =	vst v63  }
0xa5: {  	s25 =	sadd.s32 $0xE00, s17  }
0xa6: {  	[tilespmem:s22], [sflag:$0x2] =	stream.indirect.gather [hbm4b:s3+s11], $0x20, s25, s11, $0xb8;
	[tilespmem:$0x1A400] =	vst v63  }
0xa7: {  	s25 =	sadd.s32 $0xE80, s17  }
0xa8: {  	[tilespmem:s26], [sflag:$0x2] =	stream.indirect.gather [hbm4b:s3+s11], $0x20, s25, s11, $0xb8;
	[tilespmem:$0x1A400] =	vst v63  }
0xa9: {  	_ =	swait.ge [sflag:s7], $0x5000  }
0xaa: {  	s25 =	rddreg [dreg:$0x5];
	[sflag:s7] =	ssyncset.done $0x0  }
0xab: {  	[sflag:s7] =	ssyncadd.s32 $0xFFFFB000;
	s19 =	sadd.s32 s15, s25  }
0xac: {  	[hbm4b:s19+s2] =	stream.linear.scatter [tilespmem:s0], [sflag:$0x7], $0x5000, $0x38;
	[tilespmem:$0x1A400] =	vst v63  }
0xad: {  	_ =	swait.ge [sflag:s8], $0x5000  }
0xae: {  	[sflag:s8] =	ssyncset.done $0x0  }
0xaf: {  	s25 =	sadd.s32 $0xF00, s17;
	[sflag:s8] =	ssyncadd.s32 $0xFFFFB000  }
0xb0: {  	[tilespmem:s0], [sflag:$0x3] =	stream.indirect.gather [hbm4b:s3+s11], $0x20, s25, s11, $0xb8;
	[tilespmem:$0x1A400] =	vst v63  }
0xb1: {  	s25 =	sadd.s32 $0xF80, s17  }
0xb2: {  	[tilespmem:s20], [sflag:$0x3] =	stream.indirect.gather [hbm4b:s3+s11], $0x20, s25, s11, $0xb8;
	[tilespmem:$0x1A400] =	vst v63  }
0xb3: {  	s25 =	sadd.s32 $0x1000, s17  }
0xb4: {  	[tilespmem:s31], [sflag:$0x3] =	stream.indirect.gather [hbm4b:s3+s11], $0x20, s25, s11, $0xb8;
	[tilespmem:$0x1A400] =	vst v63  }
0xb5: {  	s25 =	sadd.s32 $0x1080, s17  }
0xb6: {  	[tilespmem:s24], [sflag:$0x3] =	stream.indirect.gather [hbm4b:s3+s11], $0x20, s25, s11, $0xb8;
	[tilespmem:$0x1A400] =	vst v63  }
0xb7: {  	s25 =	sadd.s32 $0x1100, s17  }
0xb8: {  	[tilespmem:s16], [sflag:$0x3] =	stream.indirect.gather [hbm4b:s3+s11], $0x20, s25, s11, $0xb8;
	[tilespmem:$0x1A400] =	vst v63  }
0xb9: {  	_ =	swait.ge [sflag:s9], $0x5000  }
0xba: {  	s25 =	rddreg [dreg:$0x4];
	[sflag:s9] =	ssyncset.done $0x0  }
0xbb: {  	[sflag:s9] =	ssyncadd.s32 $0xFFFFB000;
	s19 =	sadd.s32 s15, s25  }
0xbc: {  	[hbm4b:s19+s2] =	stream.linear.scatter [tilespmem:s1], [sflag:$0x8], $0x5000, $0x38;
	[tilespmem:$0x1A400] =	vst v63  }
0xbd: {  	_ =	swait.ge [sflag:s10], $0x5000  }
0xbe: {  	[sflag:s10] =	ssyncset.done $0x0  }
0xbf: {  	s25 =	sadd.s32 $0x1180, s17;
	[sflag:s10] =	ssyncadd.s32 $0xFFFFB000  }
0xc0: {  	[tilespmem:s1], [sflag:$0x4] =	stream.indirect.gather [hbm4b:s3+s11], $0x20, s25, s11, $0xb8;
	[tilespmem:$0x1A400] =	vst v63  }
0xc1: {  	s25 =	sadd.s32 $0x1200, s17  }
0xc2: {  	[tilespmem:s30], [sflag:$0x4] =	stream.indirect.gather [hbm4b:s3+s11], $0x20, s25, s11, $0xb8;
	[tilespmem:$0x1A400] =	vst v63  }
0xc3: {  	s25 =	sadd.s32 $0x1280, s17  }
0xc4: {  	[tilespmem:s23], [sflag:$0x4] =	stream.indirect.gather [hbm4b:s3+s11], $0x20, s25, s11, $0xb8;
	[tilespmem:$0x1A400] =	vst v63  }
0xc5: {  	p0 =	sne.s32 s13, $0x14000;
	s25 =	sadd.s32 $0x1300, s17  }
0xc6: {  	[tilespmem:s12], [sflag:$0x4] =	stream.indirect.gather [hbm4b:s3+s11], $0x20, s25, s11, $0xb8;
	[tilespmem:$0x1A400] =	vst v63  }
.Ltmp0:
0xc7: {  	s17 =	sadd.s32 $0x1380, s17;
	s25 =	simm.s32 $0x19400;
	(pc) =	sbr.rel @p0 .LBB2_2-.Ltmp0, $4  }
0xc8: {  	[tilespmem:s25], [sflag:$0x4] =	stream.indirect.gather [hbm4b:s3+s11], $0x20, s17, s11, $0xb8;
	[tilespmem:$0x1A400] =	vst v63  }
0xc9: {  	_ =	swait.ge [sflag:s29], $0x5000  }
0xca: {  	s14 =	simm.s32 $0x6400;
	[sflag:s29] =	ssyncset.done $0x0;
	s25 =	rddreg [dreg:$0x7]  }
0xcb: {  	s13 =	sadd.s32 $0x2800, s13;
	[sflag:s29] =	ssyncadd.s32 $0xFFFFB000;
	s15 =	sadd.s32 s15, s25  }
0xcc: {  	[hbm4b:s15+s2] =	stream.linear.scatter [tilespmem:s14], [sflag:$0x5], $0x5000, $0x38;
	[tilespmem:$0x1A400] =	vst v63  }
0xcd: {  	_ =	swait.ge [sflag:s5], $0x5000  }
0xce: {  	[sflag:s5] =	ssyncset.done $0x0  }
0xcf: {  	s13 =	rddreg [dreg:$0xa];
	[sflag:s5] =	ssyncadd.s32 $0xFFFFB000  }
0xd0: {  	[hbm4b:s13+s2] =	stream.linear.scatter [tilespmem:s21], [sflag:$0x6], $0x5000, $0x38;
	[tilespmem:$0x1A400] =	vst v63  }
0xd1: {  	_ =	swait.ge [sflag:s7], $0x5000  }
0xd2: {  	[sflag:s7] =	ssyncset.done $0x0  }
0xd3: {  	s24 =	rddreg [dreg:$0xb];
	[sflag:s7] =	ssyncadd.s32 $0xFFFFB000  }
0xd4: {  	[hbm4b:s24+s2] =	stream.linear.scatter [tilespmem:s0], [sflag:$0x7], $0x5000, $0x38;
	[tilespmem:$0x1A400] =	vst v63  }
0xd5: {  	_ =	swait.ge [sflag:s9], $0x5000  }
0xd6: {  	[sflag:s9] =	ssyncset.done $0x0  }
0xd7: {  	s25 =	rddreg [dreg:$0xc];
	[sflag:s9] =	ssyncadd.s32 $0xFFFFB000  }
0xd8: {  	[hbm4b:s25+s2] =	stream.linear.scatter [tilespmem:s1], [sflag:$0x8], $0x5000, $0x38;
	[tilespmem:$0x1A400] =	vst v63  }
0xd9: {  	_ =	swait.ge [sflag:s4], $0x5000  }
0xda: {  	[sflag:s4] =	ssyncset.done $0x0  }
0xdb: {  	[sflag:s4] =	ssyncadd.s32 $0xFFFFB000  }
0xdc: {  	_ =	swait.ge [sflag:s6], $0x5000  }
0xdd: {  	[sflag:s6] =	ssyncset.done $0x0  }
0xde: {  	[sflag:s6] =	ssyncadd.s32 $0xFFFFB000  }
0xdf: {  	_ =	swait.ge [sflag:s8], $0x5000  }
0xe0: {  	[sflag:s8] =	ssyncset.done $0x0  }
0xe1: {  	[sflag:s8] =	ssyncadd.s32 $0xFFFFB000  }
0xe2: {  	_ =	swait.ge [sflag:s10], $0x5000  }
0xe3: {  	s31 =	rddreg [dreg:$0xe]  }
0xe4: {  	s15 =	simm.s32 $0x7400;
	s26 =	rddreg [dreg:$0xd];
	s31 =	sadd.s32 $0x1, s31  }
0xe5: {  	s17 =	simm.s32 $0x8400;
	s19 =	simm.s32 $0x9400;
	p0 =	sne.s32 s31, s26  }
.Ltmp1:
0xe6: {  	s23 =	simm.s32 $0xA400;
	s14 =	simm.s32 $0xC400;
	(pc) =	sbr.rel @p0 .LBB2_1-.Ltmp1, $4  }
0xe7: {  	s18 =	simm.s32 $0xD400;
	s22 =	simm.s32 $0xE400;
	s20 =	simm.s32 $0x11400  }
0xe8: {  	s16 =	simm.s32 $0x14400;
	s28 =	simm.s32 $0x16400;
	s30 =	simm.s32 $0x17400  }
0xe9: {  	s12 =	simm.s32 $0x18400;
	s24 =	simm.s32 $0x13400;
	[sflag:s10] =	ssyncset.done $0x0  }
0xea: {  	s25 =	simm.s32 $0xF400;
	[sflag:s10] =	ssyncadd.s32 $0xFFFFB000;
	s26 =	simm.s32 $0x12400  }
0xeb: {  	_ =	sfence.sel $0x180000  }
0xec: {  	[bflag:$0x0] =	sbarrier.arrive $0xFFFF  }
0xed: {  	_ =	strace $0x90000047  }
0xee: {  	s0 =	stileid.u32;
	[bflag:$0x2] =	sbarrier.arrive $0xFFFF  }
0xef: {  	p0 =	sne.s32 s0, $0x0;
	s0 =	rddreg [dreg:$0x3]  }
0xf0: {  	s0 =	sadd.s32 @!p0 $0x100000, s0  }
0xf1: {  	[sflag:s0] =	ssyncadd.tile.s32 @!p0 $0x1;
	_ =	shalt  }
.Lfunc_end2:
_tile_overlayer_lowered:
.L_overlay_start_2:
0xf2: {  	(tag) =	ssettag $0x2  }
0xf3: {  	s0 =	rddreg [dreg:$0x0];
	s2 =	stileid.u32  }
0xf4: {  	s1 =	rddreg [dreg:$0x1];
	p0 =	sne.s32 s2, $0x0  }
0xf5: {  	s3 =	rddreg [dreg:$0x2];
	[bflag:$0x3] =	sbarrier.arrive $0xFFFF;
	s2 =	simm.s32 @!p0 $0x1C09  }
0xf6: {  	[timem:s3], [sflag:s2] =	dma.local @!p0 [hbm:s0], s1  }
0xf7: {  	s0 =	simm.s32 @!p0 $0x9  }
0xf8: {  	_ =	swait.ge @!p0 [sflag:s0], s1  }
0xf9: {  	s1 =	ssub.s32 @!p0 $0x0, s1;
	[sflag:s0] =	ssyncset.done @!p0 $0x0  }
0xfa: {  	[sflag:s0] =	ssyncadd.s32 @!p0 s1  }
0xfb: {  	[bflag:$0x3] =	sbarrier.arrive $0xFFFF  }
0xfc: {  	_ =	shalt  }

// kernel: sparse-core-data-format-call.cloned.1.call-start
scs
called_computation_lowered:
.L_overlay_start_0:
0x0: {  	s2 =	sld [smem:$0x3FD9]  }
0x1: {  	s3 =	sld [smem:$0x3FFE];
	_ =	sdelay $0x1  }
0x2: {  	s1 =	srdreg.scid  }
0x3: {  	s0 =	sand.u32 $0x1, s1  }
0x4: {  	s18 =	sshll.u32 s0, $0xA;
	s2 =	sadd.s32 s3, s2  }
0x5: {  	s2 =	sadd.s32 s2, s18  }
0x6: {  	[smem:$0x3FC6] =	sst s2  }
0x7: {  	_ = 	snop  }
0x8: {  	s2 =	sld [smem:$0x3FD0];
	(tm) =	ssettm $0x1  }
0x9: {  	s19 =	sld [smem:$0x3FFB];
	_ =	sdelay $0x3  }
0xa: {  	_ =	strace s19  }
0xb: {  	s3 =	sld [smem:$0x3FFC];
	_ =	sdelay $0x3  }
0xc: {  	_ =	strace s3  }
0xd: {  	s3 =	sld [smem:$0x3FFD];
	_ =	sdelay $0x3  }
0xe: {  	_ =	strace s3  }
0xf: {  	_ =	strace $0x8FFFFFFF  }
0x10: {  	s20 =	sld [smem:$0x3FDB];
	_ =	sdelay $0x1  }
0x11: {  	s4 =	simm.s32 $_scs_section_size  }
0x12: {  	s5 =	simm.s32 $_size__tile_overlayer_lowered;
	s6 =	simm.s32 $_tile_overlayer_lowered  }
0x13: {  	s23 =	simm.s32 $0x1BFF;
	s22 =	sshll.u32 s6, $0x1;
	s3 =	sadd.s32 s4, s20  }
0x14: {  	s7 =	simm.s32 $0x0;
	s21 =	sshll.u32 s5, $0x1;
	s5 =	sadd.s32 s22, s3  }
0x15: {  	[timem:s7], [sflag:s23] =	dma.local [hbm:s5], s21  }
0x16: {  	_ =	swait.ge [sflag:s23], s21  }
0x17: {  	s4 =	ssub.s32 $0x0, s21;
	[sflag:s23] =	ssyncset.done $0x0  }
0x18: {  	[sflag:s23] =	ssyncadd.s32 s4;
	_ =	sdelay $0x1  }
0x19: {  	s24 =	simm.s32 $0x1B8B  }
0x1a: {  	_ =	swait.ge [sflag:s24], $0x1  }
0x1b: {  	[sflag:s24] =	ssyncset.done $0x0  }
0x1c: {  	s26 =	simm.s32 $0x1B8E;
	s25 =	sld [smem:$0x3FFE];
	[sflag:s24] =	ssyncadd.s32 $0xFFFFFFFF  }
0x1d: {  	s27 =	simm.s32 $execute0_lowered;
	[smem:$0x3FD2] =	sst s26  }
0x1e: {  	s5 =	sshll.u32 s27, $0x1;
	_ =	strace $0x80000049;
	[dreg:$0x1] =	wrdreg $0xFFFFFFFF  }
0x1f: {  	s28 =	simm.s32 $_size_execute0_lowered;
	s3 =	sadd.s32 s3, s5;
	[dreg:$0x0] =	wrdreg $0x0  }
0x20: {  	s5 =	sshll.u32 s28, $0x1;
	[dreg:$0x2] =	wrdreg s3  }
0x21: {  	[dreg:$0x3] =	wrdreg s5  }
0x22: {  	[dreg:$0x4] =	wrdreg $0xC0  }
0x23: {  	_ =	task [dreg:s7], $0x5FFFF  }
0x24: {  	[dreg:$0x1] =	wrdreg $0xFFFFFFFF  }
0x25: {  	[dreg:$0x0] =	wrdreg $0x60  }
0x26: {  	[dreg:$0x2] =	wrdreg s25  }
0x27: {  	[dreg:$0x3] =	wrdreg s2  }
0x28: {  	[dreg:$0x4] =	wrdreg $0x9  }
0x29: {  	_ =	task.clear_ibuf [dreg:s7], $0x5FFFF;
	_ =	strace $0x90000049  }
0x2a: {  	s29 =	simm.s32 $0x9;
	_ =	strace $0x8000004B  }
0x2b: {  	_ =	swait.ge [sflag:s29], $0x1  }
0x2c: {  	[sflag:s29] =	ssyncadd.s32 $0xFFFFFFFF  }
0x2d: {  	_ =	strace $0x9000004B  }
0x2e: {  	_ =	sfence  }
0x2f: {  	s30 =	sld [smem:$0x0];
	_ =	sdelay $0x2  }
0x30: {  	s31 =	sshll.u32 s1, $0xD;
	s1 =	sshrl.u32 s1, $0x2  }
0x31: {  	s3 =	sand.u32 $0x4000, s31;
	s1 =	sadd.s32 s1, s30  }
0x32: {  	s0 =	sor.u32 s3, s0;
	s1 =	sshll.u32 s1, $0x11  }
0x33: {  	s0 =	sor.u32 s1, s0  }
0x34: {  	s0 =	sadd.s32 $0x8F2B, s0  }
0x35: {  	[sflag:s0] =	ssyncadd.remote.s32 $0x1  }
0x36: {  	_ =	sfence.sel $0xFFFF  }
0x37: {  	[dreg:$0x0] =	wrdreg $0xFFFFFFFF;
	(pc) =	sbr.abs _section_cstart, $3  }
0x38: {  	[dreg:$0x1] =	wrdreg $0xFFFFFFFF  }
0x39: {  	_ =	task.clear_ibuf [dreg:s7], $0x2FFFF;
	_ =	strace $0x9FFFFFFF  }
0x3a: {  	(tm) =	ssettm $0x7FFFFFFF  }
0x3b: {  	_ =	shalt  }
tec
execute0_lowered:
.L_overlay_start_1:
0x0: {  	(tag) =	ssettag $0x1  }
0x1: {  	s0 =	srdreg.scid  }
0x2: {  	s1 =	sshll.u32 s0, $0x4  }
0x3: {  	s4 =	rddreg [dreg:$0x0];
	s0 =	stileid.u32;
	s1 =	sand.u32 $0x10, s1  }
0x4: {  	s2 =	rddreg [dreg:$0x1];
	s7 =	simm.s32 $0x1;
	s1 =	sor.u32 s0, s1  }
0x5: {  	s8 =	simm.s32 $0x2;
	s11 =	simm.s32 $0x0;
	s3 =	sshll.u32 s1, $0x7  }
0x6: {  	s10 =	simm.s32 $0x0;
	s4 =	sadd.s32 $0x800, s4;
	s6 =	ssub.s32 $0xC8000, s3  }
.Ltmp0:
0x7: {  	s1 =	rddreg [dreg:$0x2];
	s5 =	sand.u32 $0xF80, s6;
	(pc) =	sbr.rel .LBB1_1-.Ltmp0, $4  }
0x8: {  	_ =	strace $0x8000004A;
	s9 =	smov.u32 s3;
	p0 =	sne.s32 s5, $0x0  }
0x9: {  	s6 =	sshrl.u32 s6, $0xC;
	s5 =	simm.s32 $0x1;
	s7 =	simm.s32 @!p0 $0x0  }
0xa: {  	[sflag:s5] =	ssyncpa.u1 $0x0;
	p0 =	por $0x0, $0x0;
	s6 =	sadd.s32 s7, s6  }
0xb: {  	[sflag:s8] =	ssyncpa.u1 $0x0;
	s8 =	simm.s32 $0x640000;
	s7 =	sadd.s32 $0x1, s6  }
.LBB1_4:
0xc: {  	s14 =	sshll.u32 s11, $0x3  }
0xd: {  	s30 =	sand.u32 $0x7F, s11;
	s15 =	sand.u32 $0xFFFFFC00, s14  }
0xe: {  	s11 =	sor.u32 s30, s15  }
0xf: {  	s15 =	smulhi.u32 $0x51EB851F, s11  }
0x10: {  	s14 =	smulhi.u32 $0x51EB851F, s14  }
0x11: {  	s15 =	sshrl.u32 s15, $0x12  }
0x12: {  	s14 =	sshrl.u32 s14, $0x12;
	s15 =	smul.u32 $0xC8000, s15  }
0x13: {  	s14 =	sand.u32 $0x1F, s14  }
0x14: {  	s14 =	smul.u32 $0x19000, s14;
	s11 =	ssub.s32 s11, s15  }
0x15: {  	s15 =	sand.u32 $0x7, s11  }
0x16: {  	s14 =	sadd.s32 s2, s14;
	s11 =	sshrl.u32 s11, $0x3;
	s15 =	sshll.u32 s15, $0x12  }
0x17: {  	[tilespmem:s13+$0x0 ss:$0x81] =	vst.msk $0xffff, v0;
	s11 =	sadd.s32 s11, s14;
	s31 =	sor.u32 $0x400, s15  }
0x18: {  	[hbm4b:s11+s31] =	stream.strided.scatter [tilespmem:s12], [sflag:$0x2], $0x1000, s8, s31, $0x20;
	[tilespmem:$0x4040] =	vst v63  }
.LBB1_5:
0x19: {  	s13 =	sadd.s32 $0x1000, s9  }
0x1a: {  	p2 =	sgt.s32 s13, $0xC7FFF  }
0x1b: {  	s13 =	smov.u32 @p2 s3;
	p2 =	sne.s32 s10, s7  }
.Ltmp1:
0x1c: {  	p1 =	slt.u32 s10, $0x2;
	(pc) =	sbr.rel @!p2 .LBB1_6-.Ltmp1, $4  }
0x1d: {  	s12 =	simm.s32 @!p1 $0x2  }
0x1e: {  	s14 =	sadd.s32 $0x1, s10;
	_ =	swait.ge @!p1 [sflag:s12], $0x1000  }
0x1f: {  	s11 =	smov.u32 s9;
	p0 =	por !p0, !p0;
	[sflag:s12] =	ssyncset.done @!p1 $0x0  }
0x20: {  	s10 =	smov.u32 s14;
	s9 =	smov.u32 s13;
	[sflag:s12] =	ssyncadd.s32 @!p1 $0xFFFFF000  }
.LBB1_1:
0x21: {  	p1 =	sge.u32 s10, s6  }
0x22: {  	s12 =	sand.u32 @!p1 $0x1FFFFFF, s9  }
0x23: {  	s13 =	smulhi.u32 @!p1 $0x147AE15, s12;
	_ =	sdelay $0x1  }
0x24: {  	s13 =	sshrl.u32 @!p1 s13, $0xC  }
0x25: {  	s13 =	smul.u32 @!p1 $0xC8000, s13;
	_ =	sdelay $0x1  }
0x26: {  	s31 =	sadd.s32 $0xFFFFFFFF, s10;
	s14 =	sxor.u32 @!p1 $0xFFFFFFFF, s10;
	s12 =	ssub.s32 @!p1 s12, s13  }
0x27: {  	s15 =	simm.s32 @!p1 $0x80;
	s14 =	sshll.u32 @!p1 s14, $0xC;
	s12 =	sshll.u32 @!p1 s12, $0x4  }
0x28: {  	s13 =	sand.u32 @!p1 $0x1000, s14;
	s14 =	simm.s32 @!p1 $0x20;
	s12 =	sadd.s32 @!p1 s4, s12  }
0x29: {  	[tilespmem:s13], [sflag:$0x1] =	stream.strided.gather @!p1 [hbm4b:s12+s14], $0x1000, s15, s14, $0x38;
	[tilespmem:$0x4040] =	vst v63  }
0x2a: {  	p1 =	sge.u32 s31, s6  }
.Ltmp2:
0x2b: {  	_ = 	snop;
	(pc) =	sbr.rel @p1 .LBB1_5-.Ltmp2, $1  }
0x2c: {  	_ =	sdelay $0x3  }
0x2d: {  	s12 =	simm.s32 $0x1  }
0x2e: {  	_ =	swait.ge [sflag:s5], $0x1000;
	s12 =	simm.s32 @!p0 $0x0  }
0x2f: {  	[sflag:s5] =	ssyncset.done $0x0;
	s13 =	sshll.u32 s12, $0xC  }
0x30: {  	[sflag:s5] =	ssyncadd.s32 $0xFFFFF000;
	s16 =	sor.u32 $0x10, s13  }
0x31: {  	s12 =	smul.u32 $0x4080, s12;
	v1 =	vld [tilespmem:s16+$0x0]  }
0x32: {  	s30 =	sand.u32 $0x1, s10;
	v0 =	vld [tilespmem:s16+$0xFFFFFFF0]  }
0x33: {  	s13 =	smul.u32 $0x4080, s30;
	s12 =	sshrl.u32 s12, $0x2  }
0x34: {  	s14 =	sor.u32 $0x2000, s12  }
0x35: {  	s31 =	sshrl.u32 s13, $0x2;
	s13 =	sadd.s32 $0x0, s14  }
0x36: {  	s15 =	simm.s32 $0x4;
	s16 =	sadd.s32 $0x20, s16;
	s12 =	sor.u32 $0x2000, s31;
	[tilespmem:s13+$0x810 ss:$0x81] =	vst.msk $0xffff, v1  }
.LBB1_3:
0x37: {  	v1 =	vld [tilespmem:s16+$0x0];
	p1 =	sne.s32 s15, $0x1FC;
	[tilespmem:s13+$0x0 ss:$0x81] =	vst.msk $0xffff, v0;
	s13 =	smov.u32 s15;
	s15 =	sadd.s32 $0x4, s15  }
.Ltmp3:
0x38: {  	v0 =	vld [tilespmem:s16+$0xFFFFFFF0];
	(pc) =	sbr.rel @p1 .LBB1_3-.Ltmp3, $4  }
0x39: {  	_ = 	snop  }
0x3a: {  	s13 =	sshra.s32 s13, $0x2  }
0x3b: {  	s13 =	sadd.s32 s13, s14  }
0x3c: {  	s16 =	sadd.s32 $0x20, s16;
	[tilespmem:s13+$0x810 ss:$0x81] =	vst.msk $0xffff, v1  }
.Ltmp4:
0x3d: {  	_ = 	snop;
	(pc) =	sbr.rel .LBB1_4-.Ltmp4, $1  }
0x3e: {  	_ =	sdelay $0x3  }
.LBB1_6:
0x3f: {  	_ =	sfence.sel $0x180000  }
0x40: {  	s2 =	simm.s32 $0x1;
	[bflag:$0x0] =	sbarrier.arrive $0xFFFF  }
0x41: {  	s31 =	simm.s32 $0x2;
	[sflag:s2] =	ssyncpa.u1 $0x1  }
0x42: {  	[sflag:s31] =	ssyncpa.u1 $0x1  }
0x43: {  	p0 =	sne.s32 s0, $0x0;
	_ =	strace $0x9000004A  }
0x44: {  	s0 =	sadd.s32 @!p0 $0x100000, s1;
	[bflag:$0x2] =	sbarrier.arrive $0xFFFF  }
0x45: {  	[sflag:s0] =	ssyncadd.tile.s32 @!p0 $0x1;
	_ =	shalt  }
.Lfunc_end1:
_tile_overlayer_lowered:
.L_overlay_start_2:
0x46: {  	(tag) =	ssettag $0x2  }
0x47: {  	s0 =	rddreg [dreg:$0x0];
	s2 =	stileid.u32  }
0x48: {  	s1 =	rddreg [dreg:$0x1];
	p0 =	sne.s32 s2, $0x0  }
0x49: {  	s3 =	rddreg [dreg:$0x2];
	[bflag:$0x3] =	sbarrier.arrive $0xFFFF;
	s2 =	simm.s32 @!p0 $0x1C01  }
0x4a: {  	[timem:s3], [sflag:s2] =	dma.local @!p0 [hbm:s0], s1  }
0x4b: {  	s0 =	simm.s32 @!p0 $0x1  }
0x4c: {  	_ =	swait.ge @!p0 [sflag:s0], s1  }
0x4d: {  	s1 =	ssub.s32 @!p0 $0x0, s1;
	[sflag:s0] =	ssyncset.done @!p0 $0x0  }
0x4e: {  	[sflag:s0] =	ssyncadd.s32 @!p0 s1  }
0x4f: {  	[bflag:$0x3] =	sbarrier.arrive $0xFFFF  }
0x50: {  	_ =	shalt  }

</sc_bundles>
